<compile_context>
chip_gen: v7x
topology: tpu7x:2x2x1
jax: 0.10.2.dev20260603
libtpu: 0.0.44.dev20260713+nightly
codegen_flags: <defaults>
</compile_context>

<pallas_src>
import functools

import jax
import jax.numpy as jnp
from jax import lax
from jax.experimental import pallas as pl
from jax.experimental.pallas import tpu as pltpu
from jax.experimental.pallas import tpu_sc as plsc

_B = 1024
_V = 100000


_VR = 4000
_NVJ = _V // _VR
_GPB = -(-_B // _NVJ)


def _tc_body(tgt_ref, x_ref, x_any, lse_ref, tv_ref, m_ref, s_ref, win, gsem):
    j = pl.program_id(0)

    @pl.when(j == 0)
    def _init():
        m_ref[...] = jnp.full((1, _B), -jnp.inf, jnp.float32)
        s_ref[...] = jnp.zeros((1, _B), jnp.float32)

    for q in range(_GPB):
        k = j * _GPB + q

        @pl.when(k < _B)
        def _():
            cb = pl.multiple_of((k // 128) * 128, 128)
            pltpu.make_async_copy(
                x_any.at[pl.ds(tgt_ref[k], 1), pl.ds(cb, 128)],
                win.at[pl.ds(k, 1), :],
                gsem,
            ).start()

    x = x_ref[...]
    bm = jnp.max(x, axis=0, keepdims=True)
    m_old = m_ref[...]
    m_new = jnp.maximum(m_old, bm)
    e_sum = jnp.sum(jnp.exp(x - m_new), axis=0, keepdims=True)
    s_new = s_ref[...] * jnp.exp(m_old - m_new) + e_sum
    s_ref[...] = s_new
    m_ref[...] = m_new

    @pl.when(j == _NVJ - 1)
    def _fin():
        lse_ref[...] = m_new + jnp.log(s_new)
        pltpu.make_async_copy(
            x_any.at[pl.ds(0, _B), pl.ds(0, 128)], win, gsem
        ).wait()
        rows = lax.broadcasted_iota(jnp.int32, (_B, 128), 0)
        cols = lax.broadcasted_iota(jnp.int32, (_B, 128), 1)
        sel = cols == lax.rem(rows, 128)
        tv_ref[...] = jnp.sum(
            jnp.where(sel, win[...], 0.0), axis=1, keepdims=True
        )


_tc_main = pl.pallas_call(
    _tc_body,
    grid_spec=pltpu.PrefetchScalarGridSpec(
        num_scalar_prefetch=1,
        grid=(_NVJ,),
        in_specs=[
            pl.BlockSpec((_VR, _B), lambda j, tgt_ref: (j, 0)),
            pl.BlockSpec(memory_space=pl.ANY),
        ],
        out_specs=[
            pl.BlockSpec((1, _B), lambda j, tgt_ref: (0, 0)),
            pl.BlockSpec((_B, 1), lambda j, tgt_ref: (0, 0)),
        ],
        scratch_shapes=[
            pltpu.VMEM((1, _B), jnp.float32),
            pltpu.VMEM((1, _B), jnp.float32),
            pltpu.VMEM((_B, 128), jnp.float32),
            pltpu.SemaphoreType.DMA,
        ],
    ),
    out_shape=[
        jax.ShapeDtypeStruct((1, _B), jnp.float32),
        jax.ShapeDtypeStruct((_B, 1), jnp.float32),
    ],
    compiler_params=pltpu.CompilerParams(
        dimension_semantics=("arbitrary",),
        vmem_limit_bytes=57 * 1024 * 1024,
    ),
)


_NC = 2
_NS = 16


def _sc_mine_body(lse, tv, out, lse_v, tv_v, out_v):
    c = lax.axis_index("c")
    s = lax.axis_index("s")
    wid = s * _NC + c

    @pl.when(wid == 0)
    def _():
        pltpu.sync_copy(lse, lse_v)
        pltpu.sync_copy(tv, tv_v)
        acc = jnp.zeros((16,), jnp.float32)
        for u in range(_B // 16):
            acc = acc + (lse_v[pl.ds(u * 16, 16)] - tv_v[pl.ds(u * 16, 16)])
        total = lax.reduce_sum_p.bind(acc, axes=(0,))
        out_v[...] = jnp.full((16,), total * (1.0 / _B), jnp.float32)
        pltpu.sync_copy(out_v, out)


@functools.cache
def _sc_mine():
    return pl.kernel(
        _sc_mine_body,
        out_type=jax.ShapeDtypeStruct((16,), jnp.float32),
        mesh=plsc.VectorSubcoreMesh(
            core_axis_name="c", subcore_axis_name="s",
            num_cores=_NC, num_subcores=_NS,
        ),
        scratch_types=[
            pltpu.VMEM((_B,), jnp.float32),
            pltpu.VMEM((_B,), jnp.float32),
            pltpu.VMEM((16,), jnp.float32),
        ],
        compiler_params=pltpu.CompilerParams(needs_layout_passes=False),
    )


def kernel(inputs, targets):
    xt = inputs.T
    tgt = targets.astype(jnp.int32)
    lse, tv = _tc_main(tgt, xt, xt)
    loss = _sc_mine()(lse.reshape(_B), tv.reshape(_B))
    return loss[0]

# --- scband reference (transcript-rebuilt; emitter-appended) ---
"""Pipeline reference for scband-hard-mining-wrapper-64355789963462 (READ-ONLY COPY).

The authoritative reference and input builder live on the scoring server;
editing this copy changes nothing except your own understanding.
"""

import jax, jax.numpy as jnp
import numpy as np

B = 1024
V = 100000
KEEP_RATIO_START = 1.0
KEEP_RATIO_END = 0.3
TOTAL_STEPS = 60000
CURRENT_STEP = 0

def setup_inputs(seed: int = 0) -> dict:
    key = jax.random.key(seed)
    k1, k2 = jax.random.split(key)
    inputs = jax.random.normal(k1, (B, V), dtype=jnp.float32)
    targets = jax.random.randint(k2, (B,), 0, V, dtype=jnp.int64)
    return {"inputs": inputs, "targets": targets}

def _ce_per_sample(logits, targets):
    # cross entropy with reduction='none' (matches torch.nn.CrossEntropyLoss)
    logp = jax.nn.log_softmax(logits, axis=-1)
    nll = -jnp.take_along_axis(logp, targets[:, None], axis=-1)[:, 0]
    return nll

def reference(inputs, targets):
    loss_per_sample = _ce_per_sample(inputs, targets)
    progress = min(CURRENT_STEP / TOTAL_STEPS, 1.0)
    current_ratio = KEEP_RATIO_START + (KEEP_RATIO_END - KEEP_RATIO_START) * progress
    k = max(1, int(loss_per_sample.shape[0] * current_ratio))
    topk_loss, _ = jax.lax.top_k(loss_per_sample, k)
    return jnp.mean(topk_loss)

if __name__ == "__main__":
    import jax
    _d = setup_inputs()
    print(jax.jit(kernel)(*tuple(_d.values())))

</pallas_src>

<mosaic_0001>
#map = affine_map<(d0, d1) -> (0)>
module attributes {stable_mosaic.version = 14 : i64} {
  func.func @_sc_mine_body(%arg0: i32, %arg1: i32, %arg2: memref<1024xf32, #tpu.memory_space<hbm>>, %arg3: memref<1024xf32, #tpu.memory_space<hbm>>, %arg4: memref<16xf32, #tpu.memory_space<hbm>>, %arg5: memref<1024xf32, #tpu.memory_space<vmem>>, %arg6: memref<1024xf32, #tpu.memory_space<vmem>>, %arg7: memref<16xf32, #tpu.memory_space<vmem>>) attributes {dimension_semantics = [#tpu.dimension_semantics<core_parallel>, #tpu.dimension_semantics<subcore_parallel>], iteration_bounds = array<i64: 2, 16>, scalar_prefetch = 0 : i64, scratch_operands = 3 : i64, tpu.core_type = #tpu.core_type<sc_vector_subcore>, window_params = [{transform_indices = #map}, {transform_indices = #map}, {transform_indices = #map}]} {
    %mul3A = arith.constant 2 : i32
    %mul3A_0 = arith.muli %arg1, %mul3A : i32
    %add3A = arith.addi %mul3A_0, %arg0 : i32
    %eq3A = arith.constant 0 : i32
    %eq3A_1 = arith.cmpi eq, %add3A, %eq3A : i32
    %convert_element_type3A = arith.extui %eq3A_1 : i1 to i32
    %cond3A = arith.constant 0 : i32
    %cond3A_2 = arith.cmpi ne, %convert_element_type3A, %cond3A : i32
    scf.if %cond3A_2 {
      "tpu.region"() ({
        %run_scoped3A = tpu.sem_alloc : memref<!tpu.dma_semaphore, #tpu.memory_space<semaphore_mem>>
        tpu.enqueue_dma source(%arg2 : memref<1024xf32, #tpu.memory_space<hbm>>) target(%arg5 : memref<1024xf32, #tpu.memory_space<vmem>>) target_semaphore(%run_scoped3A : memref<!tpu.dma_semaphore, #tpu.memory_space<semaphore_mem>>)
        tpu.wait_dma2 semaphore(%run_scoped3A : memref<!tpu.dma_semaphore, #tpu.memory_space<semaphore_mem>>) src(%arg2 : memref<1024xf32, #tpu.memory_space<hbm>>) dst(%arg5 : memref<1024xf32, #tpu.memory_space<vmem>>)
        tpu.yield
      }) : () -> ()
      "tpu.region"() ({
        %run_scoped3A = tpu.sem_alloc : memref<!tpu.dma_semaphore, #tpu.memory_space<semaphore_mem>>
        tpu.enqueue_dma source(%arg3 : memref<1024xf32, #tpu.memory_space<hbm>>) target(%arg6 : memref<1024xf32, #tpu.memory_space<vmem>>) target_semaphore(%run_scoped3A : memref<!tpu.dma_semaphore, #tpu.memory_space<semaphore_mem>>)
        tpu.wait_dma2 semaphore(%run_scoped3A : memref<!tpu.dma_semaphore, #tpu.memory_space<semaphore_mem>>) src(%arg3 : memref<1024xf32, #tpu.memory_space<hbm>>) dst(%arg6 : memref<1024xf32, #tpu.memory_space<vmem>>)
        tpu.yield
      }) : () -> ()
      %broadcast_in_dim3A = arith.constant 0.000000e+00 : f32
      %broadcast_in_dim3A_3 = vector.broadcast %broadcast_in_dim3A : f32 to vector<16xf32>
      %get3A = arith.constant 0 : index
      %get3A_4 = tpu.vector_load %arg5[%get3A] {strides = array<i32>} : memref<1024xf32, #tpu.memory_space<vmem>>, vector<16xf32>,
      %get3A_5 = arith.constant 0 : index
      %get3A_6 = tpu.vector_load %arg6[%get3A_5] {strides = array<i32>} : memref<1024xf32, #tpu.memory_space<vmem>>, vector<16xf32>,
      %sub3A = arith.subf %get3A_4, %get3A_6 : vector<16xf32>
      %add3A_7 = arith.addf %broadcast_in_dim3A_3, %sub3A : vector<16xf32>
      %get3A_8 = arith.constant 16 : index
      %get3A_9 = tpu.vector_load %arg5[%get3A_8] {strides = array<i32>} : memref<1024xf32, #tpu.memory_space<vmem>>, vector<16xf32>,
      %get3A_10 = arith.constant 16 : index
      %get3A_11 = tpu.vector_load %arg6[%get3A_10] {strides = array<i32>} : memref<1024xf32, #tpu.memory_space<vmem>>, vector<16xf32>,
      %sub3A_12 = arith.subf %get3A_9, %get3A_11 : vector<16xf32>
      %add3A_13 = arith.addf %add3A_7, %sub3A_12 : vector<16xf32>
      %get3A_14 = arith.constant 32 : index
      %get3A_15 = tpu.vector_load %arg5[%get3A_14] {strides = array<i32>} : memref<1024xf32, #tpu.memory_space<vmem>>, vector<16xf32>,
      %get3A_16 = arith.constant 32 : index
      %get3A_17 = tpu.vector_load %arg6[%get3A_16] {strides = array<i32>} : memref<1024xf32, #tpu.memory_space<vmem>>, vector<16xf32>,
      %sub3A_18 = arith.subf %get3A_15, %get3A_17 : vector<16xf32>
      %add3A_19 = arith.addf %add3A_13, %sub3A_18 : vector<16xf32>
      %get3A_20 = arith.constant 48 : index
      %get3A_21 = tpu.vector_load %arg5[%get3A_20] {strides = array<i32>} : memref<1024xf32, #tpu.memory_space<vmem>>, vector<16xf32>,
      %get3A_22 = arith.constant 48 : index
      %get3A_23 = tpu.vector_load %arg6[%get3A_22] {strides = array<i32>} : memref<1024xf32, #tpu.memory_space<vmem>>, vector<16xf32>,
      %sub3A_24 = arith.subf %get3A_21, %get3A_23 : vector<16xf32>
      %add3A_25 = arith.addf %add3A_19, %sub3A_24 : vector<16xf32>
      %get3A_26 = arith.constant 64 : index
      %get3A_27 = tpu.vector_load %arg5[%get3A_26] {strides = array<i32>} : memref<1024xf32, #tpu.memory_space<vmem>>, vector<16xf32>,
      %get3A_28 = arith.constant 64 : index
      %get3A_29 = tpu.vector_load %arg6[%get3A_28] {strides = array<i32>} : memref<1024xf32, #tpu.memory_space<vmem>>, vector<16xf32>,
      %sub3A_30 = arith.subf %get3A_27, %get3A_29 : vector<16xf32>
      %add3A_31 = arith.addf %add3A_25, %sub3A_30 : vector<16xf32>
      %get3A_32 = arith.constant 80 : index
      %get3A_33 = tpu.vector_load %arg5[%get3A_32] {strides = array<i32>} : memref<1024xf32, #tpu.memory_space<vmem>>, vector<16xf32>,
      %get3A_34 = arith.constant 80 : index
      %get3A_35 = tpu.vector_load %arg6[%get3A_34] {strides = array<i32>} : memref<1024xf32, #tpu.memory_space<vmem>>, vector<16xf32>,
      %sub3A_36 = arith.subf %get3A_33, %get3A_35 : vector<16xf32>
      %add3A_37 = arith.addf %add3A_31, %sub3A_36 : vector<16xf32>
      %get3A_38 = arith.constant 96 : index
      %get3A_39 = tpu.vector_load %arg5[%get3A_38] {strides = array<i32>} : memref<1024xf32, #tpu.memory_space<vmem>>, vector<16xf32>,
      %get3A_40 = arith.constant 96 : index
      %get3A_41 = tpu.vector_load %arg6[%get3A_40] {strides = array<i32>} : memref<1024xf32, #tpu.memory_space<vmem>>, vector<16xf32>,
      %sub3A_42 = arith.subf %get3A_39, %get3A_41 : vector<16xf32>
      %add3A_43 = arith.addf %add3A_37, %sub3A_42 : vector<16xf32>
      %get3A_44 = arith.constant 112 : index
      %get3A_45 = tpu.vector_load %arg5[%get3A_44] {strides = array<i32>} : memref<1024xf32, #tpu.memory_space<vmem>>, vector<16xf32>,
      %get3A_46 = arith.constant 112 : index
      %get3A_47 = tpu.vector_load %arg6[%get3A_46] {strides = array<i32>} : memref<1024xf32, #tpu.memory_space<vmem>>, vector<16xf32>,
      %sub3A_48 = arith.subf %get3A_45, %get3A_47 : vector<16xf32>
      %add3A_49 = arith.addf %add3A_43, %sub3A_48 : vector<16xf32>
      %get3A_50 = arith.constant 128 : index
      %get3A_51 = tpu.vector_load %arg5[%get3A_50] {strides = array<i32>} : memref<1024xf32, #tpu.memory_space<vmem>>, vector<16xf32>,
      %get3A_52 = arith.constant 128 : index
      %get3A_53 = tpu.vector_load %arg6[%get3A_52] {strides = array<i32>} : memref<1024xf32, #tpu.memory_space<vmem>>, vector<16xf32>,
      %sub3A_54 = arith.subf %get3A_51, %get3A_53 : vector<16xf32>
      %add3A_55 = arith.addf %add3A_49, %sub3A_54 : vector<16xf32>
      %get3A_56 = arith.constant 144 : index
      %get3A_57 = tpu.vector_load %arg5[%get3A_56] {strides = array<i32>} : memref<1024xf32, #tpu.memory_space<vmem>>, vector<16xf32>,
      %get3A_58 = arith.constant 144 : index
      %get3A_59 = tpu.vector_load %arg6[%get3A_58] {strides = array<i32>} : memref<1024xf32, #tpu.memory_space<vmem>>, vector<16xf32>,
      %sub3A_60 = arith.subf %get3A_57, %get3A_59 : vector<16xf32>
      %add3A_61 = arith.addf %add3A_55, %sub3A_60 : vector<16xf32>
      %get3A_62 = arith.constant 160 : index
      %get3A_63 = tpu.vector_load %arg5[%get3A_62] {strides = array<i32>} : memref<1024xf32, #tpu.memory_space<vmem>>, vector<16xf32>,
      %get3A_64 = arith.constant 160 : index
      %get3A_65 = tpu.vector_load %arg6[%get3A_64] {strides = array<i32>} : memref<1024xf32, #tpu.memory_space<vmem>>, vector<16xf32>,
      %sub3A_66 = arith.subf %get3A_63, %get3A_65 : vector<16xf32>
      %add3A_67 = arith.addf %add3A_61, %sub3A_66 : vector<16xf32>
      %get3A_68 = arith.constant 176 : index
      %get3A_69 = tpu.vector_load %arg5[%get3A_68] {strides = array<i32>} : memref<1024xf32, #tpu.memory_space<vmem>>, vector<16xf32>,
      %get3A_70 = arith.constant 176 : index
      %get3A_71 = tpu.vector_load %arg6[%get3A_70] {strides = array<i32>} : memref<1024xf32, #tpu.memory_space<vmem>>, vector<16xf32>,
      %sub3A_72 = arith.subf %get3A_69, %get3A_71 : vector<16xf32>
      %add3A_73 = arith.addf %add3A_67, %sub3A_72 : vector<16xf32>
      %get3A_74 = arith.constant 192 : index
      %get3A_75 = tpu.vector_load %arg5[%get3A_74] {strides = array<i32>} : memref<1024xf32, #tpu.memory_space<vmem>>, vector<16xf32>,
      %get3A_76 = arith.constant 192 : index
      %get3A_77 = tpu.vector_load %arg6[%get3A_76] {strides = array<i32>} : memref<1024xf32, #tpu.memory_space<vmem>>, vector<16xf32>,
      %sub3A_78 = arith.subf %get3A_75, %get3A_77 : vector<16xf32>
      %add3A_79 = arith.addf %add3A_73, %sub3A_78 : vector<16xf32>
      %get3A_80 = arith.constant 208 : index
      %get3A_81 = tpu.vector_load %arg5[%get3A_80] {strides = array<i32>} : memref<1024xf32, #tpu.memory_space<vmem>>, vector<16xf32>,
      %get3A_82 = arith.constant 208 : index
      %get3A_83 = tpu.vector_load %arg6[%get3A_82] {strides = array<i32>} : memref<1024xf32, #tpu.memory_space<vmem>>, vector<16xf32>,
      %sub3A_84 = arith.subf %get3A_81, %get3A_83 : vector<16xf32>
      %add3A_85 = arith.addf %add3A_79, %sub3A_84 : vector<16xf32>
      %get3A_86 = arith.constant 224 : index
      %get3A_87 = tpu.vector_load %arg5[%get3A_86] {strides = array<i32>} : memref<1024xf32, #tpu.memory_space<vmem>>, vector<16xf32>,
      %get3A_88 = arith.constant 224 : index
      %get3A_89 = tpu.vector_load %arg6[%get3A_88] {strides = array<i32>} : memref<1024xf32, #tpu.memory_space<vmem>>, vector<16xf32>,
      %sub3A_90 = arith.subf %get3A_87, %get3A_89 : vector<16xf32>
      %add3A_91 = arith.addf %add3A_85, %sub3A_90 : vector<16xf32>
      %get3A_92 = arith.constant 240 : index
      %get3A_93 = tpu.vector_load %arg5[%get3A_92] {strides = array<i32>} : memref<1024xf32, #tpu.memory_space<vmem>>, vector<16xf32>,
      %get3A_94 = arith.constant 240 : index
      %get3A_95 = tpu.vector_load %arg6[%get3A_94] {strides = array<i32>} : memref<1024xf32, #tpu.memory_space<vmem>>, vector<16xf32>,
      %sub3A_96 = arith.subf %get3A_93, %get3A_95 : vector<16xf32>
      %add3A_97 = arith.addf %add3A_91, %sub3A_96 : vector<16xf32>
      %get3A_98 = arith.constant 256 : index
      %get3A_99 = tpu.vector_load %arg5[%get3A_98] {strides = array<i32>} : memref<1024xf32, #tpu.memory_space<vmem>>, vector<16xf32>,
      %get3A_100 = arith.constant 256 : index
      %get3A_101 = tpu.vector_load %arg6[%get3A_100] {strides = array<i32>} : memref<1024xf32, #tpu.memory_space<vmem>>, vector<16xf32>,
      %sub3A_102 = arith.subf %get3A_99, %get3A_101 : vector<16xf32>
      %add3A_103 = arith.addf %add3A_97, %sub3A_102 : vector<16xf32>
      %get3A_104 = arith.constant 272 : index
      %get3A_105 = tpu.vector_load %arg5[%get3A_104] {strides = array<i32>} : memref<1024xf32, #tpu.memory_space<vmem>>, vector<16xf32>,
      %get3A_106 = arith.constant 272 : index
      %get3A_107 = tpu.vector_load %arg6[%get3A_106] {strides = array<i32>} : memref<1024xf32, #tpu.memory_space<vmem>>, vector<16xf32>,
      %sub3A_108 = arith.subf %get3A_105, %get3A_107 : vector<16xf32>
      %add3A_109 = arith.addf %add3A_103, %sub3A_108 : vector<16xf32>
      %get3A_110 = arith.constant 288 : index
      %get3A_111 = tpu.vector_load %arg5[%get3A_110] {strides = array<i32>} : memref<1024xf32, #tpu.memory_space<vmem>>, vector<16xf32>,
      %get3A_112 = arith.constant 288 : index
      %get3A_113 = tpu.vector_load %arg6[%get3A_112] {strides = array<i32>} : memref<1024xf32, #tpu.memory_space<vmem>>, vector<16xf32>,
      %sub3A_114 = arith.subf %get3A_111, %get3A_113 : vector<16xf32>
      %add3A_115 = arith.addf %add3A_109, %sub3A_114 : vector<16xf32>
      %get3A_116 = arith.constant 304 : index
      %get3A_117 = tpu.vector_load %arg5[%get3A_116] {strides = array<i32>} : memref<1024xf32, #tpu.memory_space<vmem>>, vector<16xf32>,
      %get3A_118 = arith.constant 304 : index
      %get3A_119 = tpu.vector_load %arg6[%get3A_118] {strides = array<i32>} : memref<1024xf32, #tpu.memory_space<vmem>>, vector<16xf32>,
      %sub3A_120 = arith.subf %get3A_117, %get3A_119 : vector<16xf32>
      %add3A_121 = arith.addf %add3A_115, %sub3A_120 : vector<16xf32>
      %get3A_122 = arith.constant 320 : index
      %get3A_123 = tpu.vector_load %arg5[%get3A_122] {strides = array<i32>} : memref<1024xf32, #tpu.memory_space<vmem>>, vector<16xf32>,
      %get3A_124 = arith.constant 320 : index
      %get3A_125 = tpu.vector_load %arg6[%get3A_124] {strides = array<i32>} : memref<1024xf32, #tpu.memory_space<vmem>>, vector<16xf32>,
      %sub3A_126 = arith.subf %get3A_123, %get3A_125 : vector<16xf32>
      %add3A_127 = arith.addf %add3A_121, %sub3A_126 : vector<16xf32>
      %get3A_128 = arith.constant 336 : index
      %get3A_129 = tpu.vector_load %arg5[%get3A_128] {strides = array<i32>} : memref<1024xf32, #tpu.memory_space<vmem>>, vector<16xf32>,
      %get3A_130 = arith.constant 336 : index
      %get3A_131 = tpu.vector_load %arg6[%get3A_130] {strides = array<i32>} : memref<1024xf32, #tpu.memory_space<vmem>>, vector<16xf32>,
      %sub3A_132 = arith.subf %get3A_129, %get3A_131 : vector<16xf32>
      %add3A_133 = arith.addf %add3A_127, %sub3A_132 : vector<16xf32>
      %get3A_134 = arith.constant 352 : index
      %get3A_135 = tpu.vector_load %arg5[%get3A_134] {strides = array<i32>} : memref<1024xf32, #tpu.memory_space<vmem>>, vector<16xf32>,
      %get3A_136 = arith.constant 352 : index
      %get3A_137 = tpu.vector_load %arg6[%get3A_136] {strides = array<i32>} : memref<1024xf32, #tpu.memory_space<vmem>>, vector<16xf32>,
      %sub3A_138 = arith.subf %get3A_135, %get3A_137 : vector<16xf32>
      %add3A_139 = arith.addf %add3A_133, %sub3A_138 : vector<16xf32>
      %get3A_140 = arith.constant 368 : index
      %get3A_141 = tpu.vector_load %arg5[%get3A_140] {strides = array<i32>} : memref<1024xf32, #tpu.memory_space<vmem>>, vector<16xf32>,
      %get3A_142 = arith.constant 368 : index
      %get3A_143 = tpu.vector_load %arg6[%get3A_142] {strides = array<i32>} : memref<1024xf32, #tpu.memory_space<vmem>>, vector<16xf32>,
      %sub3A_144 = arith.subf %get3A_141, %get3A_143 : vector<16xf32>
      %add3A_145 = arith.addf %add3A_139, %sub3A_144 : vector<16xf32>
      %get3A_146 = arith.constant 384 : index
      %get3A_147 = tpu.vector_load %arg5[%get3A_146] {strides = array<i32>} : memref<1024xf32, #tpu.memory_space<vmem>>, vector<16xf32>,
      %get3A_148 = arith.constant 384 : index
      %get3A_149 = tpu.vector_load %arg6[%get3A_148] {strides = array<i32>} : memref<1024xf32, #tpu.memory_space<vmem>>, vector<16xf32>,
      %sub3A_150 = arith.subf %get3A_147, %get3A_149 : vector<16xf32>
      %add3A_151 = arith.addf %add3A_145, %sub3A_150 : vector<16xf32>
      %get3A_152 = arith.constant 400 : index
      %get3A_153 = tpu.vector_load %arg5[%get3A_152] {strides = array<i32>} : memref<1024xf32, #tpu.memory_space<vmem>>, vector<16xf32>,
      %get3A_154 = arith.constant 400 : index
      %get3A_155 = tpu.vector_load %arg6[%get3A_154] {strides = array<i32>} : memref<1024xf32, #tpu.memory_space<vmem>>, vector<16xf32>,
      %sub3A_156 = arith.subf %get3A_153, %get3A_155 : vector<16xf32>
      %add3A_157 = arith.addf %add3A_151, %sub3A_156 : vector<16xf32>
      %get3A_158 = arith.constant 416 : index
      %get3A_159 = tpu.vector_load %arg5[%get3A_158] {strides = array<i32>} : memref<1024xf32, #tpu.memory_space<vmem>>, vector<16xf32>,
      %get3A_160 = arith.constant 416 : index
      %get3A_161 = tpu.vector_load %arg6[%get3A_160] {strides = array<i32>} : memref<1024xf32, #tpu.memory_space<vmem>>, vector<16xf32>,
      %sub3A_162 = arith.subf %get3A_159, %get3A_161 : vector<16xf32>
      %add3A_163 = arith.addf %add3A_157, %sub3A_162 : vector<16xf32>
      %get3A_164 = arith.constant 432 : index
      %get3A_165 = tpu.vector_load %arg5[%get3A_164] {strides = array<i32>} : memref<1024xf32, #tpu.memory_space<vmem>>, vector<16xf32>,
      %get3A_166 = arith.constant 432 : index
      %get3A_167 = tpu.vector_load %arg6[%get3A_166] {strides = array<i32>} : memref<1024xf32, #tpu.memory_space<vmem>>, vector<16xf32>,
      %sub3A_168 = arith.subf %get3A_165, %get3A_167 : vector<16xf32>
      %add3A_169 = arith.addf %add3A_163, %sub3A_168 : vector<16xf32>
      %get3A_170 = arith.constant 448 : index
      %get3A_171 = tpu.vector_load %arg5[%get3A_170] {strides = array<i32>} : memref<1024xf32, #tpu.memory_space<vmem>>, vector<16xf32>,
      %get3A_172 = arith.constant 448 : index
      %get3A_173 = tpu.vector_load %arg6[%get3A_172] {strides = array<i32>} : memref<1024xf32, #tpu.memory_space<vmem>>, vector<16xf32>,
      %sub3A_174 = arith.subf %get3A_171, %get3A_173 : vector<16xf32>
      %add3A_175 = arith.addf %add3A_169, %sub3A_174 : vector<16xf32>
      %get3A_176 = arith.constant 464 : index
      %get3A_177 = tpu.vector_load %arg5[%get3A_176] {strides = array<i32>} : memref<1024xf32, #tpu.memory_space<vmem>>, vector<16xf32>,
      %get3A_178 = arith.constant 464 : index
      %get3A_179 = tpu.vector_load %arg6[%get3A_178] {strides = array<i32>} : memref<1024xf32, #tpu.memory_space<vmem>>, vector<16xf32>,
      %sub3A_180 = arith.subf %get3A_177, %get3A_179 : vector<16xf32>
      %add3A_181 = arith.addf %add3A_175, %sub3A_180 : vector<16xf32>
      %get3A_182 = arith.constant 480 : index
      %get3A_183 = tpu.vector_load %arg5[%get3A_182] {strides = array<i32>} : memref<1024xf32, #tpu.memory_space<vmem>>, vector<16xf32>,
      %get3A_184 = arith.constant 480 : index
      %get3A_185 = tpu.vector_load %arg6[%get3A_184] {strides = array<i32>} : memref<1024xf32, #tpu.memory_space<vmem>>, vector<16xf32>,
      %sub3A_186 = arith.subf %get3A_183, %get3A_185 : vector<16xf32>
      %add3A_187 = arith.addf %add3A_181, %sub3A_186 : vector<16xf32>
      %get3A_188 = arith.constant 496 : index
      %get3A_189 = tpu.vector_load %arg5[%get3A_188] {strides = array<i32>} : memref<1024xf32, #tpu.memory_space<vmem>>, vector<16xf32>,
      %get3A_190 = arith.constant 496 : index
      %get3A_191 = tpu.vector_load %arg6[%get3A_190] {strides = array<i32>} : memref<1024xf32, #tpu.memory_space<vmem>>, vector<16xf32>,
      %sub3A_192 = arith.subf %get3A_189, %get3A_191 : vector<16xf32>
      %add3A_193 = arith.addf %add3A_187, %sub3A_192 : vector<16xf32>
      %get3A_194 = arith.constant 512 : index
      %get3A_195 = tpu.vector_load %arg5[%get3A_194] {strides = array<i32>} : memref<1024xf32, #tpu.memory_space<vmem>>, vector<16xf32>,
      %get3A_196 = arith.constant 512 : index
      %get3A_197 = tpu.vector_load %arg6[%get3A_196] {strides = array<i32>} : memref<1024xf32, #tpu.memory_space<vmem>>, vector<16xf32>,
      %sub3A_198 = arith.subf %get3A_195, %get3A_197 : vector<16xf32>
      %add3A_199 = arith.addf %add3A_193, %sub3A_198 : vector<16xf32>
      %get3A_200 = arith.constant 528 : index
      %get3A_201 = tpu.vector_load %arg5[%get3A_200] {strides = array<i32>} : memref<1024xf32, #tpu.memory_space<vmem>>, vector<16xf32>,
      %get3A_202 = arith.constant 528 : index
      %get3A_203 = tpu.vector_load %arg6[%get3A_202] {strides = array<i32>} : memref<1024xf32, #tpu.memory_space<vmem>>, vector<16xf32>,
      %sub3A_204 = arith.subf %get3A_201, %get3A_203 : vector<16xf32>
      %add3A_205 = arith.addf %add3A_199, %sub3A_204 : vector<16xf32>
      %get3A_206 = arith.constant 544 : index
      %get3A_207 = tpu.vector_load %arg5[%get3A_206] {strides = array<i32>} : memref<1024xf32, #tpu.memory_space<vmem>>, vector<16xf32>,
      %get3A_208 = arith.constant 544 : index
      %get3A_209 = tpu.vector_load %arg6[%get3A_208] {strides = array<i32>} : memref<1024xf32, #tpu.memory_space<vmem>>, vector<16xf32>,
      %sub3A_210 = arith.subf %get3A_207, %get3A_209 : vector<16xf32>
      %add3A_211 = arith.addf %add3A_205, %sub3A_210 : vector<16xf32>
      %get3A_212 = arith.constant 560 : index
      %get3A_213 = tpu.vector_load %arg5[%get3A_212] {strides = array<i32>} : memref<1024xf32, #tpu.memory_space<vmem>>, vector<16xf32>,
      %get3A_214 = arith.constant 560 : index
      %get3A_215 = tpu.vector_load %arg6[%get3A_214] {strides = array<i32>} : memref<1024xf32, #tpu.memory_space<vmem>>, vector<16xf32>,
      %sub3A_216 = arith.subf %get3A_213, %get3A_215 : vector<16xf32>
      %add3A_217 = arith.addf %add3A_211, %sub3A_216 : vector<16xf32>
      %get3A_218 = arith.constant 576 : index
      %get3A_219 = tpu.vector_load %arg5[%get3A_218] {strides = array<i32>} : memref<1024xf32, #tpu.memory_space<vmem>>, vector<16xf32>,
      %get3A_220 = arith.constant 576 : index
      %get3A_221 = tpu.vector_load %arg6[%get3A_220] {strides = array<i32>} : memref<1024xf32, #tpu.memory_space<vmem>>, vector<16xf32>,
      %sub3A_222 = arith.subf %get3A_219, %get3A_221 : vector<16xf32>
      %add3A_223 = arith.addf %add3A_217, %sub3A_222 : vector<16xf32>
      %get3A_224 = arith.constant 592 : index
      %get3A_225 = tpu.vector_load %arg5[%get3A_224] {strides = array<i32>} : memref<1024xf32, #tpu.memory_space<vmem>>, vector<16xf32>,
      %get3A_226 = arith.constant 592 : index
      %get3A_227 = tpu.vector_load %arg6[%get3A_226] {strides = array<i32>} : memref<1024xf32, #tpu.memory_space<vmem>>, vector<16xf32>,
      %sub3A_228 = arith.subf %get3A_225, %get3A_227 : vector<16xf32>
      %add3A_229 = arith.addf %add3A_223, %sub3A_228 : vector<16xf32>
      %get3A_230 = arith.constant 608 : index
      %get3A_231 = tpu.vector_load %arg5[%get3A_230] {strides = array<i32>} : memref<1024xf32, #tpu.memory_space<vmem>>, vector<16xf32>,
      %get3A_232 = arith.constant 608 : index
      %get3A_233 = tpu.vector_load %arg6[%get3A_232] {strides = array<i32>} : memref<1024xf32, #tpu.memory_space<vmem>>, vector<16xf32>,
      %sub3A_234 = arith.subf %get3A_231, %get3A_233 : vector<16xf32>
      %add3A_235 = arith.addf %add3A_229, %sub3A_234 : vector<16xf32>
      %get3A_236 = arith.constant 624 : index
      %get3A_237 = tpu.vector_load %arg5[%get3A_236] {strides = array<i32>} : memref<1024xf32, #tpu.memory_space<vmem>>, vector<16xf32>,
      %get3A_238 = arith.constant 624 : index
      %get3A_239 = tpu.vector_load %arg6[%get3A_238] {strides = array<i32>} : memref<1024xf32, #tpu.memory_space<vmem>>, vector<16xf32>,
      %sub3A_240 = arith.subf %get3A_237, %get3A_239 : vector<16xf32>
      %add3A_241 = arith.addf %add3A_235, %sub3A_240 : vector<16xf32>
      %get3A_242 = arith.constant 640 : index
      %get3A_243 = tpu.vector_load %arg5[%get3A_242] {strides = array<i32>} : memref<1024xf32, #tpu.memory_space<vmem>>, vector<16xf32>,
      %get3A_244 = arith.constant 640 : index
      %get3A_245 = tpu.vector_load %arg6[%get3A_244] {strides = array<i32>} : memref<1024xf32, #tpu.memory_space<vmem>>, vector<16xf32>,
      %sub3A_246 = arith.subf %get3A_243, %get3A_245 : vector<16xf32>
      %add3A_247 = arith.addf %add3A_241, %sub3A_246 : vector<16xf32>
      %get3A_248 = arith.constant 656 : index
      %get3A_249 = tpu.vector_load %arg5[%get3A_248] {strides = array<i32>} : memref<1024xf32, #tpu.memory_space<vmem>>, vector<16xf32>,
      %get3A_250 = arith.constant 656 : index
      %get3A_251 = tpu.vector_load %arg6[%get3A_250] {strides = array<i32>} : memref<1024xf32, #tpu.memory_space<vmem>>, vector<16xf32>,
      %sub3A_252 = arith.subf %get3A_249, %get3A_251 : vector<16xf32>
      %add3A_253 = arith.addf %add3A_247, %sub3A_252 : vector<16xf32>
      %get3A_254 = arith.constant 672 : index
      %get3A_255 = tpu.vector_load %arg5[%get3A_254] {strides = array<i32>} : memref<1024xf32, #tpu.memory_space<vmem>>, vector<16xf32>,
      %get3A_256 = arith.constant 672 : index
      %get3A_257 = tpu.vector_load %arg6[%get3A_256] {strides = array<i32>} : memref<1024xf32, #tpu.memory_space<vmem>>, vector<16xf32>,
      %sub3A_258 = arith.subf %get3A_255, %get3A_257 : vector<16xf32>
      %add3A_259 = arith.addf %add3A_253, %sub3A_258 : vector<16xf32>
      %get3A_260 = arith.constant 688 : index
      %get3A_261 = tpu.vector_load %arg5[%get3A_260] {strides = array<i32>} : memref<1024xf32, #tpu.memory_space<vmem>>, vector<16xf32>,
      %get3A_262 = arith.constant 688 : index
      %get3A_263 = tpu.vector_load %arg6[%get3A_262] {strides = array<i32>} : memref<1024xf32, #tpu.memory_space<vmem>>, vector<16xf32>,
      %sub3A_264 = arith.subf %get3A_261, %get3A_263 : vector<16xf32>
      %add3A_265 = arith.addf %add3A_259, %sub3A_264 : vector<16xf32>
      %get3A_266 = arith.constant 704 : index
      %get3A_267 = tpu.vector_load %arg5[%get3A_266] {strides = array<i32>} : memref<1024xf32, #tpu.memory_space<vmem>>, vector<16xf32>,
      %get3A_268 = arith.constant 704 : index
      %get3A_269 = tpu.vector_load %arg6[%get3A_268] {strides = array<i32>} : memref<1024xf32, #tpu.memory_space<vmem>>, vector<16xf32>,
      %sub3A_270 = arith.subf %get3A_267, %get3A_269 : vector<16xf32>
      %add3A_271 = arith.addf %add3A_265, %sub3A_270 : vector<16xf32>
      %get3A_272 = arith.constant 720 : index
      %get3A_273 = tpu.vector_load %arg5[%get3A_272] {strides = array<i32>} : memref<1024xf32, #tpu.memory_space<vmem>>, vector<16xf32>,
      %get3A_274 = arith.constant 720 : index
      %get3A_275 = tpu.vector_load %arg6[%get3A_274] {strides = array<i32>} : memref<1024xf32, #tpu.memory_space<vmem>>, vector<16xf32>,
      %sub3A_276 = arith.subf %get3A_273, %get3A_275 : vector<16xf32>
      %add3A_277 = arith.addf %add3A_271, %sub3A_276 : vector<16xf32>
      %get3A_278 = arith.constant 736 : index
      %get3A_279 = tpu.vector_load %arg5[%get3A_278] {strides = array<i32>} : memref<1024xf32, #tpu.memory_space<vmem>>, vector<16xf32>,
      %get3A_280 = arith.constant 736 : index
      %get3A_281 = tpu.vector_load %arg6[%get3A_280] {strides = array<i32>} : memref<1024xf32, #tpu.memory_space<vmem>>, vector<16xf32>,
      %sub3A_282 = arith.subf %get3A_279, %get3A_281 : vector<16xf32>
      %add3A_283 = arith.addf %add3A_277, %sub3A_282 : vector<16xf32>
      %get3A_284 = arith.constant 752 : index
      %get3A_285 = tpu.vector_load %arg5[%get3A_284] {strides = array<i32>} : memref<1024xf32, #tpu.memory_space<vmem>>, vector<16xf32>,
      %get3A_286 = arith.constant 752 : index
      %get3A_287 = tpu.vector_load %arg6[%get3A_286] {strides = array<i32>} : memref<1024xf32, #tpu.memory_space<vmem>>, vector<16xf32>,
      %sub3A_288 = arith.subf %get3A_285, %get3A_287 : vector<16xf32>
      %add3A_289 = arith.addf %add3A_283, %sub3A_288 : vector<16xf32>
      %get3A_290 = arith.constant 768 : index
      %get3A_291 = tpu.vector_load %arg5[%get3A_290] {strides = array<i32>} : memref<1024xf32, #tpu.memory_space<vmem>>, vector<16xf32>,
      %get3A_292 = arith.constant 768 : index
      %get3A_293 = tpu.vector_load %arg6[%get3A_292] {strides = array<i32>} : memref<1024xf32, #tpu.memory_space<vmem>>, vector<16xf32>,
      %sub3A_294 = arith.subf %get3A_291, %get3A_293 : vector<16xf32>
      %add3A_295 = arith.addf %add3A_289, %sub3A_294 : vector<16xf32>
      %get3A_296 = arith.constant 784 : index
      %get3A_297 = tpu.vector_load %arg5[%get3A_296] {strides = array<i32>} : memref<1024xf32, #tpu.memory_space<vmem>>, vector<16xf32>,
      %get3A_298 = arith.constant 784 : index
      %get3A_299 = tpu.vector_load %arg6[%get3A_298] {strides = array<i32>} : memref<1024xf32, #tpu.memory_space<vmem>>, vector<16xf32>,
      %sub3A_300 = arith.subf %get3A_297, %get3A_299 : vector<16xf32>
      %add3A_301 = arith.addf %add3A_295, %sub3A_300 : vector<16xf32>
      %get3A_302 = arith.constant 800 : index
      %get3A_303 = tpu.vector_load %arg5[%get3A_302] {strides = array<i32>} : memref<1024xf32, #tpu.memory_space<vmem>>, vector<16xf32>,
      %get3A_304 = arith.constant 800 : index
      %get3A_305 = tpu.vector_load %arg6[%get3A_304] {strides = array<i32>} : memref<1024xf32, #tpu.memory_space<vmem>>, vector<16xf32>,
      %sub3A_306 = arith.subf %get3A_303, %get3A_305 : vector<16xf32>
      %add3A_307 = arith.addf %add3A_301, %sub3A_306 : vector<16xf32>
      %get3A_308 = arith.constant 816 : index
      %get3A_309 = tpu.vector_load %arg5[%get3A_308] {strides = array<i32>} : memref<1024xf32, #tpu.memory_space<vmem>>, vector<16xf32>,
      %get3A_310 = arith.constant 816 : index
      %get3A_311 = tpu.vector_load %arg6[%get3A_310] {strides = array<i32>} : memref<1024xf32, #tpu.memory_space<vmem>>, vector<16xf32>,
      %sub3A_312 = arith.subf %get3A_309, %get3A_311 : vector<16xf32>
      %add3A_313 = arith.addf %add3A_307, %sub3A_312 : vector<16xf32>
      %get3A_314 = arith.constant 832 : index
      %get3A_315 = tpu.vector_load %arg5[%get3A_314] {strides = array<i32>} : memref<1024xf32, #tpu.memory_space<vmem>>, vector<16xf32>,
      %get3A_316 = arith.constant 832 : index
      %get3A_317 = tpu.vector_load %arg6[%get3A_316] {strides = array<i32>} : memref<1024xf32, #tpu.memory_space<vmem>>, vector<16xf32>,
      %sub3A_318 = arith.subf %get3A_315, %get3A_317 : vector<16xf32>
      %add3A_319 = arith.addf %add3A_313, %sub3A_318 : vector<16xf32>
      %get3A_320 = arith.constant 848 : index
      %get3A_321 = tpu.vector_load %arg5[%get3A_320] {strides = array<i32>} : memref<1024xf32, #tpu.memory_space<vmem>>, vector<16xf32>,
      %get3A_322 = arith.constant 848 : index
      %get3A_323 = tpu.vector_load %arg6[%get3A_322] {strides = array<i32>} : memref<1024xf32, #tpu.memory_space<vmem>>, vector<16xf32>,
      %sub3A_324 = arith.subf %get3A_321, %get3A_323 : vector<16xf32>
      %add3A_325 = arith.addf %add3A_319, %sub3A_324 : vector<16xf32>
      %get3A_326 = arith.constant 864 : index
      %get3A_327 = tpu.vector_load %arg5[%get3A_326] {strides = array<i32>} : memref<1024xf32, #tpu.memory_space<vmem>>, vector<16xf32>,
      %get3A_328 = arith.constant 864 : index
      %get3A_329 = tpu.vector_load %arg6[%get3A_328] {strides = array<i32>} : memref<1024xf32, #tpu.memory_space<vmem>>, vector<16xf32>,
      %sub3A_330 = arith.subf %get3A_327, %get3A_329 : vector<16xf32>
      %add3A_331 = arith.addf %add3A_325, %sub3A_330 : vector<16xf32>
      %get3A_332 = arith.constant 880 : index
      %get3A_333 = tpu.vector_load %arg5[%get3A_332] {strides = array<i32>} : memref<1024xf32, #tpu.memory_space<vmem>>, vector<16xf32>,
      %get3A_334 = arith.constant 880 : index
      %get3A_335 = tpu.vector_load %arg6[%get3A_334] {strides = array<i32>} : memref<1024xf32, #tpu.memory_space<vmem>>, vector<16xf32>,
      %sub3A_336 = arith.subf %get3A_333, %get3A_335 : vector<16xf32>
      %add3A_337 = arith.addf %add3A_331, %sub3A_336 : vector<16xf32>
      %get3A_338 = arith.constant 896 : index
      %get3A_339 = tpu.vector_load %arg5[%get3A_338] {strides = array<i32>} : memref<1024xf32, #tpu.memory_space<vmem>>, vector<16xf32>,
      %get3A_340 = arith.constant 896 : index
      %get3A_341 = tpu.vector_load %arg6[%get3A_340] {strides = array<i32>} : memref<1024xf32, #tpu.memory_space<vmem>>, vector<16xf32>,
      %sub3A_342 = arith.subf %get3A_339, %get3A_341 : vector<16xf32>
      %add3A_343 = arith.addf %add3A_337, %sub3A_342 : vector<16xf32>
      %get3A_344 = arith.constant 912 : index
      %get3A_345 = tpu.vector_load %arg5[%get3A_344] {strides = array<i32>} : memref<1024xf32, #tpu.memory_space<vmem>>, vector<16xf32>,
      %get3A_346 = arith.constant 912 : index
      %get3A_347 = tpu.vector_load %arg6[%get3A_346] {strides = array<i32>} : memref<1024xf32, #tpu.memory_space<vmem>>, vector<16xf32>,
      %sub3A_348 = arith.subf %get3A_345, %get3A_347 : vector<16xf32>
      %add3A_349 = arith.addf %add3A_343, %sub3A_348 : vector<16xf32>
      %get3A_350 = arith.constant 928 : index
      %get3A_351 = tpu.vector_load %arg5[%get3A_350] {strides = array<i32>} : memref<1024xf32, #tpu.memory_space<vmem>>, vector<16xf32>,
      %get3A_352 = arith.constant 928 : index
      %get3A_353 = tpu.vector_load %arg6[%get3A_352] {strides = array<i32>} : memref<1024xf32, #tpu.memory_space<vmem>>, vector<16xf32>,
      %sub3A_354 = arith.subf %get3A_351, %get3A_353 : vector<16xf32>
      %add3A_355 = arith.addf %add3A_349, %sub3A_354 : vector<16xf32>
      %get3A_356 = arith.constant 944 : index
      %get3A_357 = tpu.vector_load %arg5[%get3A_356] {strides = array<i32>} : memref<1024xf32, #tpu.memory_space<vmem>>, vector<16xf32>,
      %get3A_358 = arith.constant 944 : index
      %get3A_359 = tpu.vector_load %arg6[%get3A_358] {strides = array<i32>} : memref<1024xf32, #tpu.memory_space<vmem>>, vector<16xf32>,
      %sub3A_360 = arith.subf %get3A_357, %get3A_359 : vector<16xf32>
      %add3A_361 = arith.addf %add3A_355, %sub3A_360 : vector<16xf32>
      %get3A_362 = arith.constant 960 : index
      %get3A_363 = tpu.vector_load %arg5[%get3A_362] {strides = array<i32>} : memref<1024xf32, #tpu.memory_space<vmem>>, vector<16xf32>,
      %get3A_364 = arith.constant 960 : index
      %get3A_365 = tpu.vector_load %arg6[%get3A_364] {strides = array<i32>} : memref<1024xf32, #tpu.memory_space<vmem>>, vector<16xf32>,
      %sub3A_366 = arith.subf %get3A_363, %get3A_365 : vector<16xf32>
      %add3A_367 = arith.addf %add3A_361, %sub3A_366 : vector<16xf32>
      %get3A_368 = arith.constant 976 : index
      %get3A_369 = tpu.vector_load %arg5[%get3A_368] {strides = array<i32>} : memref<1024xf32, #tpu.memory_space<vmem>>, vector<16xf32>,
      %get3A_370 = arith.constant 976 : index
      %get3A_371 = tpu.vector_load %arg6[%get3A_370] {strides = array<i32>} : memref<1024xf32, #tpu.memory_space<vmem>>, vector<16xf32>,
      %sub3A_372 = arith.subf %get3A_369, %get3A_371 : vector<16xf32>
      %add3A_373 = arith.addf %add3A_367, %sub3A_372 : vector<16xf32>
      %get3A_374 = arith.constant 992 : index
      %get3A_375 = tpu.vector_load %arg5[%get3A_374] {strides = array<i32>} : memref<1024xf32, #tpu.memory_space<vmem>>, vector<16xf32>,
      %get3A_376 = arith.constant 992 : index
      %get3A_377 = tpu.vector_load %arg6[%get3A_376] {strides = array<i32>} : memref<1024xf32, #tpu.memory_space<vmem>>, vector<16xf32>,
      %sub3A_378 = arith.subf %get3A_375, %get3A_377 : vector<16xf32>
      %add3A_379 = arith.addf %add3A_373, %sub3A_378 : vector<16xf32>
      %get3A_380 = arith.constant 1008 : index
      %get3A_381 = tpu.vector_load %arg5[%get3A_380] {strides = array<i32>} : memref<1024xf32, #tpu.memory_space<vmem>>, vector<16xf32>,
      %get3A_382 = arith.constant 1008 : index
      %get3A_383 = tpu.vector_load %arg6[%get3A_382] {strides = array<i32>} : memref<1024xf32, #tpu.memory_space<vmem>>, vector<16xf32>,
      %sub3A_384 = arith.subf %get3A_381, %get3A_383 : vector<16xf32>
      %add3A_385 = arith.addf %add3A_379, %sub3A_384 : vector<16xf32>
      %reduce_sum3A = arith.constant true
      %reduce_sum3A_386 = vector.broadcast %reduce_sum3A : i1 to vector<16xi1>
      %reduce_sum3A_387 = tpu.scan <sum>, %add3A_385 masked %reduce_sum3A_386 : vector<16xf32>, vector<16xi1> -> vector<16xf32>
      %reduce_sum3A_388 = vector.extract %reduce_sum3A_387[15] : f32 from vector<16xf32>
      %mul3A_389 = arith.constant 9.765625E-4 : f32
      %mul3A_390 = arith.mulf %reduce_sum3A_388, %mul3A_389 : f32
      %broadcast_in_dim3A_391 = vector.broadcast %mul3A_390 : f32 to vector<16xf32>
      %swap3A = arith.constant 0 : index
      %swap3A_392 = tpu.vector_load %arg7[%swap3A] {strides = array<i32>} : memref<16xf32, #tpu.memory_space<vmem>>, vector<16xf32>,
      tpu.vector_store %arg7[%swap3A], %broadcast_in_dim3A_391 {strides = array<i32>} : memref<16xf32, #tpu.memory_space<vmem>>, vector<16xf32>,
      "tpu.region"() ({
        %run_scoped3A = tpu.sem_alloc : memref<!tpu.dma_semaphore, #tpu.memory_space<semaphore_mem>>
        tpu.enqueue_dma source(%arg7 : memref<16xf32, #tpu.memory_space<vmem>>) target(%arg4 : memref<16xf32, #tpu.memory_space<hbm>>) target_semaphore(%run_scoped3A : memref<!tpu.dma_semaphore, #tpu.memory_space<semaphore_mem>>)
        tpu.wait_dma2 semaphore(%run_scoped3A : memref<!tpu.dma_semaphore, #tpu.memory_space<semaphore_mem>>) src(%arg7 : memref<16xf32, #tpu.memory_space<vmem>>) dst(%arg4 : memref<16xf32, #tpu.memory_space<hbm>>)
        tpu.yield
      }) : () -> ()
    } else {
    }
    return
  }
}

module attributes {stable_mosaic.version = 14 : i64} {
  func.func @_tc_body(%arg0: i32, %arg1: memref<1024xi32, #tpu.memory_space<smem>>, %arg2: memref<4000x1024xf32, #tpu.memory_space<vmem>>, %arg3: memref<100000x1024xf32, #tpu.memory_space<any>>, %arg4: memref<1x1024xf32, #tpu.memory_space<vmem>>, %arg5: memref<1024x1xf32, #tpu.memory_space<vmem>>, %arg6: memref<1x1024xf32, #tpu.memory_space<vmem>>, %arg7: memref<1x1024xf32, #tpu.memory_space<vmem>>, %arg8: memref<1024x128xf32, #tpu.memory_space<vmem>>, %arg9: memref<!tpu.dma_semaphore, #tpu.memory_space<semaphore_mem>>) attributes {dimension_semantics = [#tpu.dimension_semantics<arbitrary>], iteration_bounds = array<i64: 25>, scalar_prefetch = 1 : i64, scratch_operands = 4 : i64, tpu.core_type = #tpu.core_type<tc>, window_params = [{transform_indices = @transform_0, window_bounds = array<i64: 4000, 1024>}, {}, {pipeline_mode = #tpu.pipeline_mode<synchronous>, transform_indices = @transform_2, window_bounds = array<i64: 1, 1024>}, {pipeline_mode = #tpu.pipeline_mode<synchronous>, transform_indices = @transform_3, window_bounds = array<i64: 1024, 1>}]} {
    %eq3A = arith.constant 0 : i32
    %eq3A_0 = arith.cmpi eq, %arg0, %eq3A : i32
    %convert_element_type3A = arith.extui %eq3A_0 : i1 to i32
    %cond3A = arith.constant 0 : i32
    %cond3A_1 = arith.cmpi ne, %convert_element_type3A, %cond3A : i32
    scf.if %cond3A_1 {
      %broadcast_in_dim3A_394 = arith.constant 0xFF800000 : f32
      %broadcast_in_dim3A_395 = vector.broadcast %broadcast_in_dim3A_394 : f32 to vector<1x1024xf32>
      %swap3A_396 = arith.constant 0 : index
      %swap3A_397 = arith.constant 0 : index
      %swap3A_398 = vector.load %arg6[%swap3A_396, %swap3A_397] : memref<1x1024xf32, #tpu.memory_space<vmem>>, vector<1x1024xf32>
      tpu.vector_store %arg6[%swap3A_396, %swap3A_397], %broadcast_in_dim3A_395 {strides = array<i32>} : memref<1x1024xf32, #tpu.memory_space<vmem>>, vector<1x1024xf32>,
      %broadcast_in_dim3A_399 = arith.constant 0.000000e+00 : f32
      %broadcast_in_dim3A_400 = vector.broadcast %broadcast_in_dim3A_399 : f32 to vector<1x1024xf32>
      %swap3A_401 = arith.constant 0 : index
      %swap3A_402 = arith.constant 0 : index
      %swap3A_403 = vector.load %arg7[%swap3A_401, %swap3A_402] : memref<1x1024xf32, #tpu.memory_space<vmem>>, vector<1x1024xf32>
      tpu.vector_store %arg7[%swap3A_401, %swap3A_402], %broadcast_in_dim3A_400 {strides = array<i32>} : memref<1x1024xf32, #tpu.memory_space<vmem>>, vector<1x1024xf32>,
    } else {
    }
    %mul3A = arith.constant 41 : i32
    %mul3A_2 = arith.muli %arg0, %mul3A : i32
    %add3A = arith.constant 0 : i32
    %add3A_3 = arith.addi %mul3A_2, %add3A : i32
    %lt3A = arith.constant 1024 : i32
    %lt3A_4 = arith.cmpi slt, %add3A_3, %lt3A : i32
    %convert_element_type3A_5 = arith.extui %lt3A_4 : i1 to i32
    %cond3A_6 = arith.constant 0 : i32
    %cond3A_7 = arith.cmpi ne, %convert_element_type3A_5, %cond3A_6 : i32
    scf.if %cond3A_7 {
      %jit3A = arith.constant 128 : i32
      %div3A = arith.divsi %add3A_3, %jit3A : i32
      %sign3A = arith.constant 0 : i32
      %sign3A_394 = arith.cmpi sgt, %add3A_3, %sign3A : i32
      %sign3A_395 = arith.extui %sign3A_394 : i1 to i32
      %sign3A_396 = arith.constant 0 : i32
      %sign3A_397 = arith.cmpi slt, %add3A_3, %sign3A_396 : i32
      %sign3A_398 = arith.extui %sign3A_397 : i1 to i32
      %sign3A_399 = arith.subi %sign3A_395, %sign3A_398 : i32
      %sign3A_400 = arith.constant 0 : i32
      %sign3A_401 = arith.cmpi sgt, %jit3A, %sign3A_400 : i32
      %sign3A_402 = arith.extui %sign3A_401 : i1 to i32
      %sign3A_403 = arith.constant 0 : i32
      %sign3A_404 = arith.cmpi slt, %jit3A, %sign3A_403 : i32
      %sign3A_405 = arith.extui %sign3A_404 : i1 to i32
      %sign3A_406 = arith.subi %sign3A_402, %sign3A_405 : i32
      %ne3A = arith.cmpi ne, %sign3A_399, %sign3A_406 : i32
      %rem3A = arith.remsi %add3A_3, %jit3A : i32
      %ne3A_407 = arith.constant 0 : i32
      %ne3A_408 = arith.cmpi ne, %rem3A, %ne3A_407 : i32
      %and3A = arith.andi %ne3A, %ne3A_408 : i1
      %sub3A_409 = arith.constant 1 : i32
      %sub3A_410 = arith.subi %div3A, %sub3A_409 : i32
      %select_n3A = arith.select %and3A, %sub3A_410, %div3A : i32
      %mul3A_411 = arith.constant 128 : i32
      %mul3A_412 = arith.muli %select_n3A, %mul3A_411 : i32
      %multiple_of3A = tpu.assume_multiple %mul3A_412, 128 : i32
      %get3A_413 = arith.index_cast %add3A_3 : i32 to index
      %get3A_414 = memref.load %arg1[%get3A_413] : memref<1024xi32, #tpu.memory_space<smem>>
      %dma_start3A = arith.constant 0 : i32
      %dma_start3A_415 = tpu.memref_slice %arg8[%add3A_3, %dma_start3A] : memref<1024x128xf32, #tpu.memory_space<vmem>> -> memref<1x128xf32, #tpu.memory_space<vmem>>
      %dma_start3A_416 = tpu.memref_slice %arg3[%get3A_414, %multiple_of3A] : memref<100000x1024xf32, #tpu.memory_space<any>> -> memref<1x128xf32, #tpu.memory_space<any>>
      tpu.enqueue_dma source(%dma_start3A_416 : memref<1x128xf32, #tpu.memory_space<any>>) target(%dma_start3A_415 : memref<1x128xf32, #tpu.memory_space<vmem>>) target_semaphore(%arg9 : memref<!tpu.dma_semaphore, #tpu.memory_space<semaphore_mem>>)
    } else {
    }
    %mul3A_8 = arith.constant 41 : i32
    %mul3A_9 = arith.muli %arg0, %mul3A_8 : i32
    %add3A_10 = arith.constant 1 : i32
    %add3A_11 = arith.addi %mul3A_9, %add3A_10 : i32
    %lt3A_12 = arith.constant 1024 : i32
    %lt3A_13 = arith.cmpi slt, %add3A_11, %lt3A_12 : i32
    %convert_element_type3A_14 = arith.extui %lt3A_13 : i1 to i32
    %cond3A_15 = arith.constant 0 : i32
    %cond3A_16 = arith.cmpi ne, %convert_element_type3A_14, %cond3A_15 : i32
    scf.if %cond3A_16 {
      %jit3A = arith.constant 128 : i32
      %div3A = arith.divsi %add3A_11, %jit3A : i32
      %sign3A = arith.constant 0 : i32
      %sign3A_394 = arith.cmpi sgt, %add3A_11, %sign3A : i32
      %sign3A_395 = arith.extui %sign3A_394 : i1 to i32
      %sign3A_396 = arith.constant 0 : i32
      %sign3A_397 = arith.cmpi slt, %add3A_11, %sign3A_396 : i32
      %sign3A_398 = arith.extui %sign3A_397 : i1 to i32
      %sign3A_399 = arith.subi %sign3A_395, %sign3A_398 : i32
      %sign3A_400 = arith.constant 0 : i32
      %sign3A_401 = arith.cmpi sgt, %jit3A, %sign3A_400 : i32
      %sign3A_402 = arith.extui %sign3A_401 : i1 to i32
      %sign3A_403 = arith.constant 0 : i32
      %sign3A_404 = arith.cmpi slt, %jit3A, %sign3A_403 : i32
      %sign3A_405 = arith.extui %sign3A_404 : i1 to i32
      %sign3A_406 = arith.subi %sign3A_402, %sign3A_405 : i32
      %ne3A = arith.cmpi ne, %sign3A_399, %sign3A_406 : i32
      %rem3A = arith.remsi %add3A_11, %jit3A : i32
      %ne3A_407 = arith.constant 0 : i32
      %ne3A_408 = arith.cmpi ne, %rem3A, %ne3A_407 : i32
      %and3A = arith.andi %ne3A, %ne3A_408 : i1
      %sub3A_409 = arith.constant 1 : i32
      %sub3A_410 = arith.subi %div3A, %sub3A_409 : i32
      %select_n3A = arith.select %and3A, %sub3A_410, %div3A : i32
      %mul3A_411 = arith.constant 128 : i32
      %mul3A_412 = arith.muli %select_n3A, %mul3A_411 : i32
      %multiple_of3A = tpu.assume_multiple %mul3A_412, 128 : i32
      %get3A_413 = arith.index_cast %add3A_11 : i32 to index
      %get3A_414 = memref.load %arg1[%get3A_413] : memref<1024xi32, #tpu.memory_space<smem>>
      %dma_start3A = arith.constant 0 : i32
      %dma_start3A_415 = tpu.memref_slice %arg8[%add3A_11, %dma_start3A] : memref<1024x128xf32, #tpu.memory_space<vmem>> -> memref<1x128xf32, #tpu.memory_space<vmem>>
      %dma_start3A_416 = tpu.memref_slice %arg3[%get3A_414, %multiple_of3A] : memref<100000x1024xf32, #tpu.memory_space<any>> -> memref<1x128xf32, #tpu.memory_space<any>>
      tpu.enqueue_dma source(%dma_start3A_416 : memref<1x128xf32, #tpu.memory_space<any>>) target(%dma_start3A_415 : memref<1x128xf32, #tpu.memory_space<vmem>>) target_semaphore(%arg9 : memref<!tpu.dma_semaphore, #tpu.memory_space<semaphore_mem>>)
    } else {
    }
    %mul3A_17 = arith.constant 41 : i32
    %mul3A_18 = arith.muli %arg0, %mul3A_17 : i32
    %add3A_19 = arith.constant 2 : i32
    %add3A_20 = arith.addi %mul3A_18, %add3A_19 : i32
    %lt3A_21 = arith.constant 1024 : i32
    %lt3A_22 = arith.cmpi slt, %add3A_20, %lt3A_21 : i32
    %convert_element_type3A_23 = arith.extui %lt3A_22 : i1 to i32
    %cond3A_24 = arith.constant 0 : i32
    %cond3A_25 = arith.cmpi ne, %convert_element_type3A_23, %cond3A_24 : i32
    scf.if %cond3A_25 {
      %jit3A = arith.constant 128 : i32
      %div3A = arith.divsi %add3A_20, %jit3A : i32
      %sign3A = arith.constant 0 : i32
      %sign3A_394 = arith.cmpi sgt, %add3A_20, %sign3A : i32
      %sign3A_395 = arith.extui %sign3A_394 : i1 to i32
      %sign3A_396 = arith.constant 0 : i32
      %sign3A_397 = arith.cmpi slt, %add3A_20, %sign3A_396 : i32
      %sign3A_398 = arith.extui %sign3A_397 : i1 to i32
      %sign3A_399 = arith.subi %sign3A_395, %sign3A_398 : i32
      %sign3A_400 = arith.constant 0 : i32
      %sign3A_401 = arith.cmpi sgt, %jit3A, %sign3A_400 : i32
      %sign3A_402 = arith.extui %sign3A_401 : i1 to i32
      %sign3A_403 = arith.constant 0 : i32
      %sign3A_404 = arith.cmpi slt, %jit3A, %sign3A_403 : i32
      %sign3A_405 = arith.extui %sign3A_404 : i1 to i32
      %sign3A_406 = arith.subi %sign3A_402, %sign3A_405 : i32
      %ne3A = arith.cmpi ne, %sign3A_399, %sign3A_406 : i32
      %rem3A = arith.remsi %add3A_20, %jit3A : i32
      %ne3A_407 = arith.constant 0 : i32
      %ne3A_408 = arith.cmpi ne, %rem3A, %ne3A_407 : i32
      %and3A = arith.andi %ne3A, %ne3A_408 : i1
      %sub3A_409 = arith.constant 1 : i32
      %sub3A_410 = arith.subi %div3A, %sub3A_409 : i32
      %select_n3A = arith.select %and3A, %sub3A_410, %div3A : i32
      %mul3A_411 = arith.constant 128 : i32
      %mul3A_412 = arith.muli %select_n3A, %mul3A_411 : i32
      %multiple_of3A = tpu.assume_multiple %mul3A_412, 128 : i32
      %get3A_413 = arith.index_cast %add3A_20 : i32 to index
      %get3A_414 = memref.load %arg1[%get3A_413] : memref<1024xi32, #tpu.memory_space<smem>>
      %dma_start3A = arith.constant 0 : i32
      %dma_start3A_415 = tpu.memref_slice %arg8[%add3A_20, %dma_start3A] : memref<1024x128xf32, #tpu.memory_space<vmem>> -> memref<1x128xf32, #tpu.memory_space<vmem>>
      %dma_start3A_416 = tpu.memref_slice %arg3[%get3A_414, %multiple_of3A] : memref<100000x1024xf32, #tpu.memory_space<any>> -> memref<1x128xf32, #tpu.memory_space<any>>
      tpu.enqueue_dma source(%dma_start3A_416 : memref<1x128xf32, #tpu.memory_space<any>>) target(%dma_start3A_415 : memref<1x128xf32, #tpu.memory_space<vmem>>) target_semaphore(%arg9 : memref<!tpu.dma_semaphore, #tpu.memory_space<semaphore_mem>>)
    } else {
    }
    %mul3A_26 = arith.constant 41 : i32
    %mul3A_27 = arith.muli %arg0, %mul3A_26 : i32
    %add3A_28 = arith.constant 3 : i32
    %add3A_29 = arith.addi %mul3A_27, %add3A_28 : i32
    %lt3A_30 = arith.constant 1024 : i32
    %lt3A_31 = arith.cmpi slt, %add3A_29, %lt3A_30 : i32
    %convert_element_type3A_32 = arith.extui %lt3A_31 : i1 to i32
    %cond3A_33 = arith.constant 0 : i32
    %cond3A_34 = arith.cmpi ne, %convert_element_type3A_32, %cond3A_33 : i32
    scf.if %cond3A_34 {
      %jit3A = arith.constant 128 : i32
      %div3A = arith.divsi %add3A_29, %jit3A : i32
      %sign3A = arith.constant 0 : i32
      %sign3A_394 = arith.cmpi sgt, %add3A_29, %sign3A : i32
      %sign3A_395 = arith.extui %sign3A_394 : i1 to i32
      %sign3A_396 = arith.constant 0 : i32
      %sign3A_397 = arith.cmpi slt, %add3A_29, %sign3A_396 : i32
      %sign3A_398 = arith.extui %sign3A_397 : i1 to i32
      %sign3A_399 = arith.subi %sign3A_395, %sign3A_398 : i32
      %sign3A_400 = arith.constant 0 : i32
      %sign3A_401 = arith.cmpi sgt, %jit3A, %sign3A_400 : i32
      %sign3A_402 = arith.extui %sign3A_401 : i1 to i32
      %sign3A_403 = arith.constant 0 : i32
      %sign3A_404 = arith.cmpi slt, %jit3A, %sign3A_403 : i32
      %sign3A_405 = arith.extui %sign3A_404 : i1 to i32
      %sign3A_406 = arith.subi %sign3A_402, %sign3A_405 : i32
      %ne3A = arith.cmpi ne, %sign3A_399, %sign3A_406 : i32
      %rem3A = arith.remsi %add3A_29, %jit3A : i32
      %ne3A_407 = arith.constant 0 : i32
      %ne3A_408 = arith.cmpi ne, %rem3A, %ne3A_407 : i32
      %and3A = arith.andi %ne3A, %ne3A_408 : i1
      %sub3A_409 = arith.constant 1 : i32
      %sub3A_410 = arith.subi %div3A, %sub3A_409 : i32
      %select_n3A = arith.select %and3A, %sub3A_410, %div3A : i32
      %mul3A_411 = arith.constant 128 : i32
      %mul3A_412 = arith.muli %select_n3A, %mul3A_411 : i32
      %multiple_of3A = tpu.assume_multiple %mul3A_412, 128 : i32
      %get3A_413 = arith.index_cast %add3A_29 : i32 to index
      %get3A_414 = memref.load %arg1[%get3A_413] : memref<1024xi32, #tpu.memory_space<smem>>
      %dma_start3A = arith.constant 0 : i32
      %dma_start3A_415 = tpu.memref_slice %arg8[%add3A_29, %dma_start3A] : memref<1024x128xf32, #tpu.memory_space<vmem>> -> memref<1x128xf32, #tpu.memory_space<vmem>>
      %dma_start3A_416 = tpu.memref_slice %arg3[%get3A_414, %multiple_of3A] : memref<100000x1024xf32, #tpu.memory_space<any>> -> memref<1x128xf32, #tpu.memory_space<any>>
      tpu.enqueue_dma source(%dma_start3A_416 : memref<1x128xf32, #tpu.memory_space<any>>) target(%dma_start3A_415 : memref<1x128xf32, #tpu.memory_space<vmem>>) target_semaphore(%arg9 : memref<!tpu.dma_semaphore, #tpu.memory_space<semaphore_mem>>)
    } else {
    }
    %mul3A_35 = arith.constant 41 : i32
    %mul3A_36 = arith.muli %arg0, %mul3A_35 : i32
    %add3A_37 = arith.constant 4 : i32
    %add3A_38 = arith.addi %mul3A_36, %add3A_37 : i32
    %lt3A_39 = arith.constant 1024 : i32
    %lt3A_40 = arith.cmpi slt, %add3A_38, %lt3A_39 : i32
    %convert_element_type3A_41 = arith.extui %lt3A_40 : i1 to i32
    %cond3A_42 = arith.constant 0 : i32
    %cond3A_43 = arith.cmpi ne, %convert_element_type3A_41, %cond3A_42 : i32
    scf.if %cond3A_43 {
      %jit3A = arith.constant 128 : i32
      %div3A = arith.divsi %add3A_38, %jit3A : i32
      %sign3A = arith.constant 0 : i32
      %sign3A_394 = arith.cmpi sgt, %add3A_38, %sign3A : i32
      %sign3A_395 = arith.extui %sign3A_394 : i1 to i32
      %sign3A_396 = arith.constant 0 : i32
      %sign3A_397 = arith.cmpi slt, %add3A_38, %sign3A_396 : i32
      %sign3A_398 = arith.extui %sign3A_397 : i1 to i32
      %sign3A_399 = arith.subi %sign3A_395, %sign3A_398 : i32
      %sign3A_400 = arith.constant 0 : i32
      %sign3A_401 = arith.cmpi sgt, %jit3A, %sign3A_400 : i32
      %sign3A_402 = arith.extui %sign3A_401 : i1 to i32
      %sign3A_403 = arith.constant 0 : i32
      %sign3A_404 = arith.cmpi slt, %jit3A, %sign3A_403 : i32
      %sign3A_405 = arith.extui %sign3A_404 : i1 to i32
      %sign3A_406 = arith.subi %sign3A_402, %sign3A_405 : i32
      %ne3A = arith.cmpi ne, %sign3A_399, %sign3A_406 : i32
      %rem3A = arith.remsi %add3A_38, %jit3A : i32
      %ne3A_407 = arith.constant 0 : i32
      %ne3A_408 = arith.cmpi ne, %rem3A, %ne3A_407 : i32
      %and3A = arith.andi %ne3A, %ne3A_408 : i1
      %sub3A_409 = arith.constant 1 : i32
      %sub3A_410 = arith.subi %div3A, %sub3A_409 : i32
      %select_n3A = arith.select %and3A, %sub3A_410, %div3A : i32
      %mul3A_411 = arith.constant 128 : i32
      %mul3A_412 = arith.muli %select_n3A, %mul3A_411 : i32
      %multiple_of3A = tpu.assume_multiple %mul3A_412, 128 : i32
      %get3A_413 = arith.index_cast %add3A_38 : i32 to index
      %get3A_414 = memref.load %arg1[%get3A_413] : memref<1024xi32, #tpu.memory_space<smem>>
      %dma_start3A = arith.constant 0 : i32
      %dma_start3A_415 = tpu.memref_slice %arg8[%add3A_38, %dma_start3A] : memref<1024x128xf32, #tpu.memory_space<vmem>> -> memref<1x128xf32, #tpu.memory_space<vmem>>
      %dma_start3A_416 = tpu.memref_slice %arg3[%get3A_414, %multiple_of3A] : memref<100000x1024xf32, #tpu.memory_space<any>> -> memref<1x128xf32, #tpu.memory_space<any>>
      tpu.enqueue_dma source(%dma_start3A_416 : memref<1x128xf32, #tpu.memory_space<any>>) target(%dma_start3A_415 : memref<1x128xf32, #tpu.memory_space<vmem>>) target_semaphore(%arg9 : memref<!tpu.dma_semaphore, #tpu.memory_space<semaphore_mem>>)
    } else {
    }
    %mul3A_44 = arith.constant 41 : i32
    %mul3A_45 = arith.muli %arg0, %mul3A_44 : i32
    %add3A_46 = arith.constant 5 : i32
    %add3A_47 = arith.addi %mul3A_45, %add3A_46 : i32
    %lt3A_48 = arith.constant 1024 : i32
    %lt3A_49 = arith.cmpi slt, %add3A_47, %lt3A_48 : i32
    %convert_element_type3A_50 = arith.extui %lt3A_49 : i1 to i32
    %cond3A_51 = arith.constant 0 : i32
    %cond3A_52 = arith.cmpi ne, %convert_element_type3A_50, %cond3A_51 : i32
    scf.if %cond3A_52 {
      %jit3A = arith.constant 128 : i32
      %div3A = arith.divsi %add3A_47, %jit3A : i32
      %sign3A = arith.constant 0 : i32
      %sign3A_394 = arith.cmpi sgt, %add3A_47, %sign3A : i32
      %sign3A_395 = arith.extui %sign3A_394 : i1 to i32
      %sign3A_396 = arith.constant 0 : i32
      %sign3A_397 = arith.cmpi slt, %add3A_47, %sign3A_396 : i32
      %sign3A_398 = arith.extui %sign3A_397 : i1 to i32
      %sign3A_399 = arith.subi %sign3A_395, %sign3A_398 : i32
      %sign3A_400 = arith.constant 0 : i32
      %sign3A_401 = arith.cmpi sgt, %jit3A, %sign3A_400 : i32
      %sign3A_402 = arith.extui %sign3A_401 : i1 to i32
      %sign3A_403 = arith.constant 0 : i32
      %sign3A_404 = arith.cmpi slt, %jit3A, %sign3A_403 : i32
      %sign3A_405 = arith.extui %sign3A_404 : i1 to i32
      %sign3A_406 = arith.subi %sign3A_402, %sign3A_405 : i32
      %ne3A = arith.cmpi ne, %sign3A_399, %sign3A_406 : i32
      %rem3A = arith.remsi %add3A_47, %jit3A : i32
      %ne3A_407 = arith.constant 0 : i32
      %ne3A_408 = arith.cmpi ne, %rem3A, %ne3A_407 : i32
      %and3A = arith.andi %ne3A, %ne3A_408 : i1
      %sub3A_409 = arith.constant 1 : i32
      %sub3A_410 = arith.subi %div3A, %sub3A_409 : i32
      %select_n3A = arith.select %and3A, %sub3A_410, %div3A : i32
      %mul3A_411 = arith.constant 128 : i32
      %mul3A_412 = arith.muli %select_n3A, %mul3A_411 : i32
      %multiple_of3A = tpu.assume_multiple %mul3A_412, 128 : i32
      %get3A_413 = arith.index_cast %add3A_47 : i32 to index
      %get3A_414 = memref.load %arg1[%get3A_413] : memref<1024xi32, #tpu.memory_space<smem>>
      %dma_start3A = arith.constant 0 : i32
      %dma_start3A_415 = tpu.memref_slice %arg8[%add3A_47, %dma_start3A] : memref<1024x128xf32, #tpu.memory_space<vmem>> -> memref<1x128xf32, #tpu.memory_space<vmem>>
      %dma_start3A_416 = tpu.memref_slice %arg3[%get3A_414, %multiple_of3A] : memref<100000x1024xf32, #tpu.memory_space<any>> -> memref<1x128xf32, #tpu.memory_space<any>>
      tpu.enqueue_dma source(%dma_start3A_416 : memref<1x128xf32, #tpu.memory_space<any>>) target(%dma_start3A_415 : memref<1x128xf32, #tpu.memory_space<vmem>>) target_semaphore(%arg9 : memref<!tpu.dma_semaphore, #tpu.memory_space<semaphore_mem>>)
    } else {
    }
    %mul3A_53 = arith.constant 41 : i32
    %mul3A_54 = arith.muli %arg0, %mul3A_53 : i32
    %add3A_55 = arith.constant 6 : i32
    %add3A_56 = arith.addi %mul3A_54, %add3A_55 : i32
    %lt3A_57 = arith.constant 1024 : i32
    %lt3A_58 = arith.cmpi slt, %add3A_56, %lt3A_57 : i32
    %convert_element_type3A_59 = arith.extui %lt3A_58 : i1 to i32
    %cond3A_60 = arith.constant 0 : i32
    %cond3A_61 = arith.cmpi ne, %convert_element_type3A_59, %cond3A_60 : i32
    scf.if %cond3A_61 {
      %jit3A = arith.constant 128 : i32
      %div3A = arith.divsi %add3A_56, %jit3A : i32
      %sign3A = arith.constant 0 : i32
      %sign3A_394 = arith.cmpi sgt, %add3A_56, %sign3A : i32
      %sign3A_395 = arith.extui %sign3A_394 : i1 to i32
      %sign3A_396 = arith.constant 0 : i32
      %sign3A_397 = arith.cmpi slt, %add3A_56, %sign3A_396 : i32
      %sign3A_398 = arith.extui %sign3A_397 : i1 to i32
      %sign3A_399 = arith.subi %sign3A_395, %sign3A_398 : i32
      %sign3A_400 = arith.constant 0 : i32
      %sign3A_401 = arith.cmpi sgt, %jit3A, %sign3A_400 : i32
      %sign3A_402 = arith.extui %sign3A_401 : i1 to i32
      %sign3A_403 = arith.constant 0 : i32
      %sign3A_404 = arith.cmpi slt, %jit3A, %sign3A_403 : i32
      %sign3A_405 = arith.extui %sign3A_404 : i1 to i32
      %sign3A_406 = arith.subi %sign3A_402, %sign3A_405 : i32
      %ne3A = arith.cmpi ne, %sign3A_399, %sign3A_406 : i32
      %rem3A = arith.remsi %add3A_56, %jit3A : i32
      %ne3A_407 = arith.constant 0 : i32
      %ne3A_408 = arith.cmpi ne, %rem3A, %ne3A_407 : i32
      %and3A = arith.andi %ne3A, %ne3A_408 : i1
      %sub3A_409 = arith.constant 1 : i32
      %sub3A_410 = arith.subi %div3A, %sub3A_409 : i32
      %select_n3A = arith.select %and3A, %sub3A_410, %div3A : i32
      %mul3A_411 = arith.constant 128 : i32
      %mul3A_412 = arith.muli %select_n3A, %mul3A_411 : i32
      %multiple_of3A = tpu.assume_multiple %mul3A_412, 128 : i32
      %get3A_413 = arith.index_cast %add3A_56 : i32 to index
      %get3A_414 = memref.load %arg1[%get3A_413] : memref<1024xi32, #tpu.memory_space<smem>>
      %dma_start3A = arith.constant 0 : i32
      %dma_start3A_415 = tpu.memref_slice %arg8[%add3A_56, %dma_start3A] : memref<1024x128xf32, #tpu.memory_space<vmem>> -> memref<1x128xf32, #tpu.memory_space<vmem>>
      %dma_start3A_416 = tpu.memref_slice %arg3[%get3A_414, %multiple_of3A] : memref<100000x1024xf32, #tpu.memory_space<any>> -> memref<1x128xf32, #tpu.memory_space<any>>
      tpu.enqueue_dma source(%dma_start3A_416 : memref<1x128xf32, #tpu.memory_space<any>>) target(%dma_start3A_415 : memref<1x128xf32, #tpu.memory_space<vmem>>) target_semaphore(%arg9 : memref<!tpu.dma_semaphore, #tpu.memory_space<semaphore_mem>>)
    } else {
    }
    %mul3A_62 = arith.constant 41 : i32
    %mul3A_63 = arith.muli %arg0, %mul3A_62 : i32
    %add3A_64 = arith.constant 7 : i32
    %add3A_65 = arith.addi %mul3A_63, %add3A_64 : i32
    %lt3A_66 = arith.constant 1024 : i32
    %lt3A_67 = arith.cmpi slt, %add3A_65, %lt3A_66 : i32
    %convert_element_type3A_68 = arith.extui %lt3A_67 : i1 to i32
    %cond3A_69 = arith.constant 0 : i32
    %cond3A_70 = arith.cmpi ne, %convert_element_type3A_68, %cond3A_69 : i32
    scf.if %cond3A_70 {
      %jit3A = arith.constant 128 : i32
      %div3A = arith.divsi %add3A_65, %jit3A : i32
      %sign3A = arith.constant 0 : i32
      %sign3A_394 = arith.cmpi sgt, %add3A_65, %sign3A : i32
      %sign3A_395 = arith.extui %sign3A_394 : i1 to i32
      %sign3A_396 = arith.constant 0 : i32
      %sign3A_397 = arith.cmpi slt, %add3A_65, %sign3A_396 : i32
      %sign3A_398 = arith.extui %sign3A_397 : i1 to i32
      %sign3A_399 = arith.subi %sign3A_395, %sign3A_398 : i32
      %sign3A_400 = arith.constant 0 : i32
      %sign3A_401 = arith.cmpi sgt, %jit3A, %sign3A_400 : i32
      %sign3A_402 = arith.extui %sign3A_401 : i1 to i32
      %sign3A_403 = arith.constant 0 : i32
      %sign3A_404 = arith.cmpi slt, %jit3A, %sign3A_403 : i32
      %sign3A_405 = arith.extui %sign3A_404 : i1 to i32
      %sign3A_406 = arith.subi %sign3A_402, %sign3A_405 : i32
      %ne3A = arith.cmpi ne, %sign3A_399, %sign3A_406 : i32
      %rem3A = arith.remsi %add3A_65, %jit3A : i32
      %ne3A_407 = arith.constant 0 : i32
      %ne3A_408 = arith.cmpi ne, %rem3A, %ne3A_407 : i32
      %and3A = arith.andi %ne3A, %ne3A_408 : i1
      %sub3A_409 = arith.constant 1 : i32
      %sub3A_410 = arith.subi %div3A, %sub3A_409 : i32
      %select_n3A = arith.select %and3A, %sub3A_410, %div3A : i32
      %mul3A_411 = arith.constant 128 : i32
      %mul3A_412 = arith.muli %select_n3A, %mul3A_411 : i32
      %multiple_of3A = tpu.assume_multiple %mul3A_412, 128 : i32
      %get3A_413 = arith.index_cast %add3A_65 : i32 to index
      %get3A_414 = memref.load %arg1[%get3A_413] : memref<1024xi32, #tpu.memory_space<smem>>
      %dma_start3A = arith.constant 0 : i32
      %dma_start3A_415 = tpu.memref_slice %arg8[%add3A_65, %dma_start3A] : memref<1024x128xf32, #tpu.memory_space<vmem>> -> memref<1x128xf32, #tpu.memory_space<vmem>>
      %dma_start3A_416 = tpu.memref_slice %arg3[%get3A_414, %multiple_of3A] : memref<100000x1024xf32, #tpu.memory_space<any>> -> memref<1x128xf32, #tpu.memory_space<any>>
      tpu.enqueue_dma source(%dma_start3A_416 : memref<1x128xf32, #tpu.memory_space<any>>) target(%dma_start3A_415 : memref<1x128xf32, #tpu.memory_space<vmem>>) target_semaphore(%arg9 : memref<!tpu.dma_semaphore, #tpu.memory_space<semaphore_mem>>)
    } else {
    }
    %mul3A_71 = arith.constant 41 : i32
    %mul3A_72 = arith.muli %arg0, %mul3A_71 : i32
    %add3A_73 = arith.constant 8 : i32
    %add3A_74 = arith.addi %mul3A_72, %add3A_73 : i32
    %lt3A_75 = arith.constant 1024 : i32
    %lt3A_76 = arith.cmpi slt, %add3A_74, %lt3A_75 : i32
    %convert_element_type3A_77 = arith.extui %lt3A_76 : i1 to i32
    %cond3A_78 = arith.constant 0 : i32
    %cond3A_79 = arith.cmpi ne, %convert_element_type3A_77, %cond3A_78 : i32
    scf.if %cond3A_79 {
      %jit3A = arith.constant 128 : i32
      %div3A = arith.divsi %add3A_74, %jit3A : i32
      %sign3A = arith.constant 0 : i32
      %sign3A_394 = arith.cmpi sgt, %add3A_74, %sign3A : i32
      %sign3A_395 = arith.extui %sign3A_394 : i1 to i32
      %sign3A_396 = arith.constant 0 : i32
      %sign3A_397 = arith.cmpi slt, %add3A_74, %sign3A_396 : i32
      %sign3A_398 = arith.extui %sign3A_397 : i1 to i32
      %sign3A_399 = arith.subi %sign3A_395, %sign3A_398 : i32
      %sign3A_400 = arith.constant 0 : i32
      %sign3A_401 = arith.cmpi sgt, %jit3A, %sign3A_400 : i32
      %sign3A_402 = arith.extui %sign3A_401 : i1 to i32
      %sign3A_403 = arith.constant 0 : i32
      %sign3A_404 = arith.cmpi slt, %jit3A, %sign3A_403 : i32
      %sign3A_405 = arith.extui %sign3A_404 : i1 to i32
      %sign3A_406 = arith.subi %sign3A_402, %sign3A_405 : i32
      %ne3A = arith.cmpi ne, %sign3A_399, %sign3A_406 : i32
      %rem3A = arith.remsi %add3A_74, %jit3A : i32
      %ne3A_407 = arith.constant 0 : i32
      %ne3A_408 = arith.cmpi ne, %rem3A, %ne3A_407 : i32
      %and3A = arith.andi %ne3A, %ne3A_408 : i1
      %sub3A_409 = arith.constant 1 : i32
      %sub3A_410 = arith.subi %div3A, %sub3A_409 : i32
      %select_n3A = arith.select %and3A, %sub3A_410, %div3A : i32
      %mul3A_411 = arith.constant 128 : i32
      %mul3A_412 = arith.muli %select_n3A, %mul3A_411 : i32
      %multiple_of3A = tpu.assume_multiple %mul3A_412, 128 : i32
      %get3A_413 = arith.index_cast %add3A_74 : i32 to index
      %get3A_414 = memref.load %arg1[%get3A_413] : memref<1024xi32, #tpu.memory_space<smem>>
      %dma_start3A = arith.constant 0 : i32
      %dma_start3A_415 = tpu.memref_slice %arg8[%add3A_74, %dma_start3A] : memref<1024x128xf32, #tpu.memory_space<vmem>> -> memref<1x128xf32, #tpu.memory_space<vmem>>
      %dma_start3A_416 = tpu.memref_slice %arg3[%get3A_414, %multiple_of3A] : memref<100000x1024xf32, #tpu.memory_space<any>> -> memref<1x128xf32, #tpu.memory_space<any>>
      tpu.enqueue_dma source(%dma_start3A_416 : memref<1x128xf32, #tpu.memory_space<any>>) target(%dma_start3A_415 : memref<1x128xf32, #tpu.memory_space<vmem>>) target_semaphore(%arg9 : memref<!tpu.dma_semaphore, #tpu.memory_space<semaphore_mem>>)
    } else {
    }
    %mul3A_80 = arith.constant 41 : i32
    %mul3A_81 = arith.muli %arg0, %mul3A_80 : i32
    %add3A_82 = arith.constant 9 : i32
    %add3A_83 = arith.addi %mul3A_81, %add3A_82 : i32
    %lt3A_84 = arith.constant 1024 : i32
    %lt3A_85 = arith.cmpi slt, %add3A_83, %lt3A_84 : i32
    %convert_element_type3A_86 = arith.extui %lt3A_85 : i1 to i32
    %cond3A_87 = arith.constant 0 : i32
    %cond3A_88 = arith.cmpi ne, %convert_element_type3A_86, %cond3A_87 : i32
    scf.if %cond3A_88 {
      %jit3A = arith.constant 128 : i32
      %div3A = arith.divsi %add3A_83, %jit3A : i32
      %sign3A = arith.constant 0 : i32
      %sign3A_394 = arith.cmpi sgt, %add3A_83, %sign3A : i32
      %sign3A_395 = arith.extui %sign3A_394 : i1 to i32
      %sign3A_396 = arith.constant 0 : i32
      %sign3A_397 = arith.cmpi slt, %add3A_83, %sign3A_396 : i32
      %sign3A_398 = arith.extui %sign3A_397 : i1 to i32
      %sign3A_399 = arith.subi %sign3A_395, %sign3A_398 : i32
      %sign3A_400 = arith.constant 0 : i32
      %sign3A_401 = arith.cmpi sgt, %jit3A, %sign3A_400 : i32
      %sign3A_402 = arith.extui %sign3A_401 : i1 to i32
      %sign3A_403 = arith.constant 0 : i32
      %sign3A_404 = arith.cmpi slt, %jit3A, %sign3A_403 : i32
      %sign3A_405 = arith.extui %sign3A_404 : i1 to i32
      %sign3A_406 = arith.subi %sign3A_402, %sign3A_405 : i32
      %ne3A = arith.cmpi ne, %sign3A_399, %sign3A_406 : i32
      %rem3A = arith.remsi %add3A_83, %jit3A : i32
      %ne3A_407 = arith.constant 0 : i32
      %ne3A_408 = arith.cmpi ne, %rem3A, %ne3A_407 : i32
      %and3A = arith.andi %ne3A, %ne3A_408 : i1
      %sub3A_409 = arith.constant 1 : i32
      %sub3A_410 = arith.subi %div3A, %sub3A_409 : i32
      %select_n3A = arith.select %and3A, %sub3A_410, %div3A : i32
      %mul3A_411 = arith.constant 128 : i32
      %mul3A_412 = arith.muli %select_n3A, %mul3A_411 : i32
      %multiple_of3A = tpu.assume_multiple %mul3A_412, 128 : i32
      %get3A_413 = arith.index_cast %add3A_83 : i32 to index
      %get3A_414 = memref.load %arg1[%get3A_413] : memref<1024xi32, #tpu.memory_space<smem>>
      %dma_start3A = arith.constant 0 : i32
      %dma_start3A_415 = tpu.memref_slice %arg8[%add3A_83, %dma_start3A] : memref<1024x128xf32, #tpu.memory_space<vmem>> -> memref<1x128xf32, #tpu.memory_space<vmem>>
      %dma_start3A_416 = tpu.memref_slice %arg3[%get3A_414, %multiple_of3A] : memref<100000x1024xf32, #tpu.memory_space<any>> -> memref<1x128xf32, #tpu.memory_space<any>>
      tpu.enqueue_dma source(%dma_start3A_416 : memref<1x128xf32, #tpu.memory_space<any>>) target(%dma_start3A_415 : memref<1x128xf32, #tpu.memory_space<vmem>>) target_semaphore(%arg9 : memref<!tpu.dma_semaphore, #tpu.memory_space<semaphore_mem>>)
    } else {
    }
    %mul3A_89 = arith.constant 41 : i32
    %mul3A_90 = arith.muli %arg0, %mul3A_89 : i32
    %add3A_91 = arith.constant 10 : i32
    %add3A_92 = arith.addi %mul3A_90, %add3A_91 : i32
    %lt3A_93 = arith.constant 1024 : i32
    %lt3A_94 = arith.cmpi slt, %add3A_92, %lt3A_93 : i32
    %convert_element_type3A_95 = arith.extui %lt3A_94 : i1 to i32
    %cond3A_96 = arith.constant 0 : i32
    %cond3A_97 = arith.cmpi ne, %convert_element_type3A_95, %cond3A_96 : i32
    scf.if %cond3A_97 {
      %jit3A = arith.constant 128 : i32
      %div3A = arith.divsi %add3A_92, %jit3A : i32
      %sign3A = arith.constant 0 : i32
      %sign3A_394 = arith.cmpi sgt, %add3A_92, %sign3A : i32
      %sign3A_395 = arith.extui %sign3A_394 : i1 to i32
      %sign3A_396 = arith.constant 0 : i32
      %sign3A_397 = arith.cmpi slt, %add3A_92, %sign3A_396 : i32
      %sign3A_398 = arith.extui %sign3A_397 : i1 to i32
      %sign3A_399 = arith.subi %sign3A_395, %sign3A_398 : i32
      %sign3A_400 = arith.constant 0 : i32
      %sign3A_401 = arith.cmpi sgt, %jit3A, %sign3A_400 : i32
      %sign3A_402 = arith.extui %sign3A_401 : i1 to i32
      %sign3A_403 = arith.constant 0 : i32
      %sign3A_404 = arith.cmpi slt, %jit3A, %sign3A_403 : i32
      %sign3A_405 = arith.extui %sign3A_404 : i1 to i32
      %sign3A_406 = arith.subi %sign3A_402, %sign3A_405 : i32
      %ne3A = arith.cmpi ne, %sign3A_399, %sign3A_406 : i32
      %rem3A = arith.remsi %add3A_92, %jit3A : i32
      %ne3A_407 = arith.constant 0 : i32
      %ne3A_408 = arith.cmpi ne, %rem3A, %ne3A_407 : i32
      %and3A = arith.andi %ne3A, %ne3A_408 : i1
      %sub3A_409 = arith.constant 1 : i32
      %sub3A_410 = arith.subi %div3A, %sub3A_409 : i32
      %select_n3A = arith.select %and3A, %sub3A_410, %div3A : i32
      %mul3A_411 = arith.constant 128 : i32
      %mul3A_412 = arith.muli %select_n3A, %mul3A_411 : i32
      %multiple_of3A = tpu.assume_multiple %mul3A_412, 128 : i32
      %get3A_413 = arith.index_cast %add3A_92 : i32 to index
      %get3A_414 = memref.load %arg1[%get3A_413] : memref<1024xi32, #tpu.memory_space<smem>>
      %dma_start3A = arith.constant 0 : i32
      %dma_start3A_415 = tpu.memref_slice %arg8[%add3A_92, %dma_start3A] : memref<1024x128xf32, #tpu.memory_space<vmem>> -> memref<1x128xf32, #tpu.memory_space<vmem>>
      %dma_start3A_416 = tpu.memref_slice %arg3[%get3A_414, %multiple_of3A] : memref<100000x1024xf32, #tpu.memory_space<any>> -> memref<1x128xf32, #tpu.memory_space<any>>
      tpu.enqueue_dma source(%dma_start3A_416 : memref<1x128xf32, #tpu.memory_space<any>>) target(%dma_start3A_415 : memref<1x128xf32, #tpu.memory_space<vmem>>) target_semaphore(%arg9 : memref<!tpu.dma_semaphore, #tpu.memory_space<semaphore_mem>>)
    } else {
    }
    %mul3A_98 = arith.constant 41 : i32
    %mul3A_99 = arith.muli %arg0, %mul3A_98 : i32
    %add3A_100 = arith.constant 11 : i32
    %add3A_101 = arith.addi %mul3A_99, %add3A_100 : i32
    %lt3A_102 = arith.constant 1024 : i32
    %lt3A_103 = arith.cmpi slt, %add3A_101, %lt3A_102 : i32
    %convert_element_type3A_104 = arith.extui %lt3A_103 : i1 to i32
    %cond3A_105 = arith.constant 0 : i32
    %cond3A_106 = arith.cmpi ne, %convert_element_type3A_104, %cond3A_105 : i32
    scf.if %cond3A_106 {
      %jit3A = arith.constant 128 : i32
      %div3A = arith.divsi %add3A_101, %jit3A : i32
      %sign3A = arith.constant 0 : i32
      %sign3A_394 = arith.cmpi sgt, %add3A_101, %sign3A : i32
      %sign3A_395 = arith.extui %sign3A_394 : i1 to i32
      %sign3A_396 = arith.constant 0 : i32
      %sign3A_397 = arith.cmpi slt, %add3A_101, %sign3A_396 : i32
      %sign3A_398 = arith.extui %sign3A_397 : i1 to i32
      %sign3A_399 = arith.subi %sign3A_395, %sign3A_398 : i32
      %sign3A_400 = arith.constant 0 : i32
      %sign3A_401 = arith.cmpi sgt, %jit3A, %sign3A_400 : i32
      %sign3A_402 = arith.extui %sign3A_401 : i1 to i32
      %sign3A_403 = arith.constant 0 : i32
      %sign3A_404 = arith.cmpi slt, %jit3A, %sign3A_403 : i32
      %sign3A_405 = arith.extui %sign3A_404 : i1 to i32
      %sign3A_406 = arith.subi %sign3A_402, %sign3A_405 : i32
      %ne3A = arith.cmpi ne, %sign3A_399, %sign3A_406 : i32
      %rem3A = arith.remsi %add3A_101, %jit3A : i32
      %ne3A_407 = arith.constant 0 : i32
      %ne3A_408 = arith.cmpi ne, %rem3A, %ne3A_407 : i32
      %and3A = arith.andi %ne3A, %ne3A_408 : i1
      %sub3A_409 = arith.constant 1 : i32
      %sub3A_410 = arith.subi %div3A, %sub3A_409 : i32
      %select_n3A = arith.select %and3A, %sub3A_410, %div3A : i32
      %mul3A_411 = arith.constant 128 : i32
      %mul3A_412 = arith.muli %select_n3A, %mul3A_411 : i32
      %multiple_of3A = tpu.assume_multiple %mul3A_412, 128 : i32
      %get3A_413 = arith.index_cast %add3A_101 : i32 to index
      %get3A_414 = memref.load %arg1[%get3A_413] : memref<1024xi32, #tpu.memory_space<smem>>
      %dma_start3A = arith.constant 0 : i32
      %dma_start3A_415 = tpu.memref_slice %arg8[%add3A_101, %dma_start3A] : memref<1024x128xf32, #tpu.memory_space<vmem>> -> memref<1x128xf32, #tpu.memory_space<vmem>>
      %dma_start3A_416 = tpu.memref_slice %arg3[%get3A_414, %multiple_of3A] : memref<100000x1024xf32, #tpu.memory_space<any>> -> memref<1x128xf32, #tpu.memory_space<any>>
      tpu.enqueue_dma source(%dma_start3A_416 : memref<1x128xf32, #tpu.memory_space<any>>) target(%dma_start3A_415 : memref<1x128xf32, #tpu.memory_space<vmem>>) target_semaphore(%arg9 : memref<!tpu.dma_semaphore, #tpu.memory_space<semaphore_mem>>)
    } else {
    }
    %mul3A_107 = arith.constant 41 : i32
    %mul3A_108 = arith.muli %arg0, %mul3A_107 : i32
    %add3A_109 = arith.constant 12 : i32
    %add3A_110 = arith.addi %mul3A_108, %add3A_109 : i32
    %lt3A_111 = arith.constant 1024 : i32
    %lt3A_112 = arith.cmpi slt, %add3A_110, %lt3A_111 : i32
    %convert_element_type3A_113 = arith.extui %lt3A_112 : i1 to i32
    %cond3A_114 = arith.constant 0 : i32
    %cond3A_115 = arith.cmpi ne, %convert_element_type3A_113, %cond3A_114 : i32
    scf.if %cond3A_115 {
      %jit3A = arith.constant 128 : i32
      %div3A = arith.divsi %add3A_110, %jit3A : i32
      %sign3A = arith.constant 0 : i32
      %sign3A_394 = arith.cmpi sgt, %add3A_110, %sign3A : i32
      %sign3A_395 = arith.extui %sign3A_394 : i1 to i32
      %sign3A_396 = arith.constant 0 : i32
      %sign3A_397 = arith.cmpi slt, %add3A_110, %sign3A_396 : i32
      %sign3A_398 = arith.extui %sign3A_397 : i1 to i32
      %sign3A_399 = arith.subi %sign3A_395, %sign3A_398 : i32
      %sign3A_400 = arith.constant 0 : i32
      %sign3A_401 = arith.cmpi sgt, %jit3A, %sign3A_400 : i32
      %sign3A_402 = arith.extui %sign3A_401 : i1 to i32
      %sign3A_403 = arith.constant 0 : i32
      %sign3A_404 = arith.cmpi slt, %jit3A, %sign3A_403 : i32
      %sign3A_405 = arith.extui %sign3A_404 : i1 to i32
      %sign3A_406 = arith.subi %sign3A_402, %sign3A_405 : i32
      %ne3A = arith.cmpi ne, %sign3A_399, %sign3A_406 : i32
      %rem3A = arith.remsi %add3A_110, %jit3A : i32
      %ne3A_407 = arith.constant 0 : i32
      %ne3A_408 = arith.cmpi ne, %rem3A, %ne3A_407 : i32
      %and3A = arith.andi %ne3A, %ne3A_408 : i1
      %sub3A_409 = arith.constant 1 : i32
      %sub3A_410 = arith.subi %div3A, %sub3A_409 : i32
      %select_n3A = arith.select %and3A, %sub3A_410, %div3A : i32
      %mul3A_411 = arith.constant 128 : i32
      %mul3A_412 = arith.muli %select_n3A, %mul3A_411 : i32
      %multiple_of3A = tpu.assume_multiple %mul3A_412, 128 : i32
      %get3A_413 = arith.index_cast %add3A_110 : i32 to index
      %get3A_414 = memref.load %arg1[%get3A_413] : memref<1024xi32, #tpu.memory_space<smem>>
      %dma_start3A = arith.constant 0 : i32
      %dma_start3A_415 = tpu.memref_slice %arg8[%add3A_110, %dma_start3A] : memref<1024x128xf32, #tpu.memory_space<vmem>> -> memref<1x128xf32, #tpu.memory_space<vmem>>
      %dma_start3A_416 = tpu.memref_slice %arg3[%get3A_414, %multiple_of3A] : memref<100000x1024xf32, #tpu.memory_space<any>> -> memref<1x128xf32, #tpu.memory_space<any>>
      tpu.enqueue_dma source(%dma_start3A_416 : memref<1x128xf32, #tpu.memory_space<any>>) target(%dma_start3A_415 : memref<1x128xf32, #tpu.memory_space<vmem>>) target_semaphore(%arg9 : memref<!tpu.dma_semaphore, #tpu.memory_space<semaphore_mem>>)
    } else {
    }
    %mul3A_116 = arith.constant 41 : i32
    %mul3A_117 = arith.muli %arg0, %mul3A_116 : i32
    %add3A_118 = arith.constant 13 : i32
    %add3A_119 = arith.addi %mul3A_117, %add3A_118 : i32
    %lt3A_120 = arith.constant 1024 : i32
    %lt3A_121 = arith.cmpi slt, %add3A_119, %lt3A_120 : i32
    %convert_element_type3A_122 = arith.extui %lt3A_121 : i1 to i32
    %cond3A_123 = arith.constant 0 : i32
    %cond3A_124 = arith.cmpi ne, %convert_element_type3A_122, %cond3A_123 : i32
    scf.if %cond3A_124 {
      %jit3A = arith.constant 128 : i32
      %div3A = arith.divsi %add3A_119, %jit3A : i32
      %sign3A = arith.constant 0 : i32
      %sign3A_394 = arith.cmpi sgt, %add3A_119, %sign3A : i32
      %sign3A_395 = arith.extui %sign3A_394 : i1 to i32
      %sign3A_396 = arith.constant 0 : i32
      %sign3A_397 = arith.cmpi slt, %add3A_119, %sign3A_396 : i32
      %sign3A_398 = arith.extui %sign3A_397 : i1 to i32
      %sign3A_399 = arith.subi %sign3A_395, %sign3A_398 : i32
      %sign3A_400 = arith.constant 0 : i32
      %sign3A_401 = arith.cmpi sgt, %jit3A, %sign3A_400 : i32
      %sign3A_402 = arith.extui %sign3A_401 : i1 to i32
      %sign3A_403 = arith.constant 0 : i32
      %sign3A_404 = arith.cmpi slt, %jit3A, %sign3A_403 : i32
      %sign3A_405 = arith.extui %sign3A_404 : i1 to i32
      %sign3A_406 = arith.subi %sign3A_402, %sign3A_405 : i32
      %ne3A = arith.cmpi ne, %sign3A_399, %sign3A_406 : i32
      %rem3A = arith.remsi %add3A_119, %jit3A : i32
      %ne3A_407 = arith.constant 0 : i32
      %ne3A_408 = arith.cmpi ne, %rem3A, %ne3A_407 : i32
      %and3A = arith.andi %ne3A, %ne3A_408 : i1
      %sub3A_409 = arith.constant 1 : i32
      %sub3A_410 = arith.subi %div3A, %sub3A_409 : i32
      %select_n3A = arith.select %and3A, %sub3A_410, %div3A : i32
      %mul3A_411 = arith.constant 128 : i32
      %mul3A_412 = arith.muli %select_n3A, %mul3A_411 : i32
      %multiple_of3A = tpu.assume_multiple %mul3A_412, 128 : i32
      %get3A_413 = arith.index_cast %add3A_119 : i32 to index
      %get3A_414 = memref.load %arg1[%get3A_413] : memref<1024xi32, #tpu.memory_space<smem>>
      %dma_start3A = arith.constant 0 : i32
      %dma_start3A_415 = tpu.memref_slice %arg8[%add3A_119, %dma_start3A] : memref<1024x128xf32, #tpu.memory_space<vmem>> -> memref<1x128xf32, #tpu.memory_space<vmem>>
      %dma_start3A_416 = tpu.memref_slice %arg3[%get3A_414, %multiple_of3A] : memref<100000x1024xf32, #tpu.memory_space<any>> -> memref<1x128xf32, #tpu.memory_space<any>>
      tpu.enqueue_dma source(%dma_start3A_416 : memref<1x128xf32, #tpu.memory_space<any>>) target(%dma_start3A_415 : memref<1x128xf32, #tpu.memory_space<vmem>>) target_semaphore(%arg9 : memref<!tpu.dma_semaphore, #tpu.memory_space<semaphore_mem>>)
    } else {
    }
    %mul3A_125 = arith.constant 41 : i32
    %mul3A_126 = arith.muli %arg0, %mul3A_125 : i32
    %add3A_127 = arith.constant 14 : i32
    %add3A_128 = arith.addi %mul3A_126, %add3A_127 : i32
    %lt3A_129 = arith.constant 1024 : i32
    %lt3A_130 = arith.cmpi slt, %add3A_128, %lt3A_129 : i32
    %convert_element_type3A_131 = arith.extui %lt3A_130 : i1 to i32
    %cond3A_132 = arith.constant 0 : i32
    %cond3A_133 = arith.cmpi ne, %convert_element_type3A_131, %cond3A_132 : i32
    scf.if %cond3A_133 {
      %jit3A = arith.constant 128 : i32
      %div3A = arith.divsi %add3A_128, %jit3A : i32
      %sign3A = arith.constant 0 : i32
      %sign3A_394 = arith.cmpi sgt, %add3A_128, %sign3A : i32
      %sign3A_395 = arith.extui %sign3A_394 : i1 to i32
      %sign3A_396 = arith.constant 0 : i32
      %sign3A_397 = arith.cmpi slt, %add3A_128, %sign3A_396 : i32
      %sign3A_398 = arith.extui %sign3A_397 : i1 to i32
      %sign3A_399 = arith.subi %sign3A_395, %sign3A_398 : i32
      %sign3A_400 = arith.constant 0 : i32
      %sign3A_401 = arith.cmpi sgt, %jit3A, %sign3A_400 : i32
      %sign3A_402 = arith.extui %sign3A_401 : i1 to i32
      %sign3A_403 = arith.constant 0 : i32
      %sign3A_404 = arith.cmpi slt, %jit3A, %sign3A_403 : i32
      %sign3A_405 = arith.extui %sign3A_404 : i1 to i32
      %sign3A_406 = arith.subi %sign3A_402, %sign3A_405 : i32
      %ne3A = arith.cmpi ne, %sign3A_399, %sign3A_406 : i32
      %rem3A = arith.remsi %add3A_128, %jit3A : i32
      %ne3A_407 = arith.constant 0 : i32
      %ne3A_408 = arith.cmpi ne, %rem3A, %ne3A_407 : i32
      %and3A = arith.andi %ne3A, %ne3A_408 : i1
      %sub3A_409 = arith.constant 1 : i32
      %sub3A_410 = arith.subi %div3A, %sub3A_409 : i32
      %select_n3A = arith.select %and3A, %sub3A_410, %div3A : i32
      %mul3A_411 = arith.constant 128 : i32
      %mul3A_412 = arith.muli %select_n3A, %mul3A_411 : i32
      %multiple_of3A = tpu.assume_multiple %mul3A_412, 128 : i32
      %get3A_413 = arith.index_cast %add3A_128 : i32 to index
      %get3A_414 = memref.load %arg1[%get3A_413] : memref<1024xi32, #tpu.memory_space<smem>>
      %dma_start3A = arith.constant 0 : i32
      %dma_start3A_415 = tpu.memref_slice %arg8[%add3A_128, %dma_start3A] : memref<1024x128xf32, #tpu.memory_space<vmem>> -> memref<1x128xf32, #tpu.memory_space<vmem>>
      %dma_start3A_416 = tpu.memref_slice %arg3[%get3A_414, %multiple_of3A] : memref<100000x1024xf32, #tpu.memory_space<any>> -> memref<1x128xf32, #tpu.memory_space<any>>
      tpu.enqueue_dma source(%dma_start3A_416 : memref<1x128xf32, #tpu.memory_space<any>>) target(%dma_start3A_415 : memref<1x128xf32, #tpu.memory_space<vmem>>) target_semaphore(%arg9 : memref<!tpu.dma_semaphore, #tpu.memory_space<semaphore_mem>>)
    } else {
    }
    %mul3A_134 = arith.constant 41 : i32
    %mul3A_135 = arith.muli %arg0, %mul3A_134 : i32
    %add3A_136 = arith.constant 15 : i32
    %add3A_137 = arith.addi %mul3A_135, %add3A_136 : i32
    %lt3A_138 = arith.constant 1024 : i32
    %lt3A_139 = arith.cmpi slt, %add3A_137, %lt3A_138 : i32
    %convert_element_type3A_140 = arith.extui %lt3A_139 : i1 to i32
    %cond3A_141 = arith.constant 0 : i32
    %cond3A_142 = arith.cmpi ne, %convert_element_type3A_140, %cond3A_141 : i32
    scf.if %cond3A_142 {
      %jit3A = arith.constant 128 : i32
      %div3A = arith.divsi %add3A_137, %jit3A : i32
      %sign3A = arith.constant 0 : i32
      %sign3A_394 = arith.cmpi sgt, %add3A_137, %sign3A : i32
      %sign3A_395 = arith.extui %sign3A_394 : i1 to i32
      %sign3A_396 = arith.constant 0 : i32
      %sign3A_397 = arith.cmpi slt, %add3A_137, %sign3A_396 : i32
      %sign3A_398 = arith.extui %sign3A_397 : i1 to i32
      %sign3A_399 = arith.subi %sign3A_395, %sign3A_398 : i32
      %sign3A_400 = arith.constant 0 : i32
      %sign3A_401 = arith.cmpi sgt, %jit3A, %sign3A_400 : i32
      %sign3A_402 = arith.extui %sign3A_401 : i1 to i32
      %sign3A_403 = arith.constant 0 : i32
      %sign3A_404 = arith.cmpi slt, %jit3A, %sign3A_403 : i32
      %sign3A_405 = arith.extui %sign3A_404 : i1 to i32
      %sign3A_406 = arith.subi %sign3A_402, %sign3A_405 : i32
      %ne3A = arith.cmpi ne, %sign3A_399, %sign3A_406 : i32
      %rem3A = arith.remsi %add3A_137, %jit3A : i32
      %ne3A_407 = arith.constant 0 : i32
      %ne3A_408 = arith.cmpi ne, %rem3A, %ne3A_407 : i32
      %and3A = arith.andi %ne3A, %ne3A_408 : i1
      %sub3A_409 = arith.constant 1 : i32
      %sub3A_410 = arith.subi %div3A, %sub3A_409 : i32
      %select_n3A = arith.select %and3A, %sub3A_410, %div3A : i32
      %mul3A_411 = arith.constant 128 : i32
      %mul3A_412 = arith.muli %select_n3A, %mul3A_411 : i32
      %multiple_of3A = tpu.assume_multiple %mul3A_412, 128 : i32
      %get3A_413 = arith.index_cast %add3A_137 : i32 to index
      %get3A_414 = memref.load %arg1[%get3A_413] : memref<1024xi32, #tpu.memory_space<smem>>
      %dma_start3A = arith.constant 0 : i32
      %dma_start3A_415 = tpu.memref_slice %arg8[%add3A_137, %dma_start3A] : memref<1024x128xf32, #tpu.memory_space<vmem>> -> memref<1x128xf32, #tpu.memory_space<vmem>>
      %dma_start3A_416 = tpu.memref_slice %arg3[%get3A_414, %multiple_of3A] : memref<100000x1024xf32, #tpu.memory_space<any>> -> memref<1x128xf32, #tpu.memory_space<any>>
      tpu.enqueue_dma source(%dma_start3A_416 : memref<1x128xf32, #tpu.memory_space<any>>) target(%dma_start3A_415 : memref<1x128xf32, #tpu.memory_space<vmem>>) target_semaphore(%arg9 : memref<!tpu.dma_semaphore, #tpu.memory_space<semaphore_mem>>)
    } else {
    }
    %mul3A_143 = arith.constant 41 : i32
    %mul3A_144 = arith.muli %arg0, %mul3A_143 : i32
    %add3A_145 = arith.constant 16 : i32
    %add3A_146 = arith.addi %mul3A_144, %add3A_145 : i32
    %lt3A_147 = arith.constant 1024 : i32
    %lt3A_148 = arith.cmpi slt, %add3A_146, %lt3A_147 : i32
    %convert_element_type3A_149 = arith.extui %lt3A_148 : i1 to i32
    %cond3A_150 = arith.constant 0 : i32
    %cond3A_151 = arith.cmpi ne, %convert_element_type3A_149, %cond3A_150 : i32
    scf.if %cond3A_151 {
      %jit3A = arith.constant 128 : i32
      %div3A = arith.divsi %add3A_146, %jit3A : i32
      %sign3A = arith.constant 0 : i32
      %sign3A_394 = arith.cmpi sgt, %add3A_146, %sign3A : i32
      %sign3A_395 = arith.extui %sign3A_394 : i1 to i32
      %sign3A_396 = arith.constant 0 : i32
      %sign3A_397 = arith.cmpi slt, %add3A_146, %sign3A_396 : i32
      %sign3A_398 = arith.extui %sign3A_397 : i1 to i32
      %sign3A_399 = arith.subi %sign3A_395, %sign3A_398 : i32
      %sign3A_400 = arith.constant 0 : i32
      %sign3A_401 = arith.cmpi sgt, %jit3A, %sign3A_400 : i32
      %sign3A_402 = arith.extui %sign3A_401 : i1 to i32
      %sign3A_403 = arith.constant 0 : i32
      %sign3A_404 = arith.cmpi slt, %jit3A, %sign3A_403 : i32
      %sign3A_405 = arith.extui %sign3A_404 : i1 to i32
      %sign3A_406 = arith.subi %sign3A_402, %sign3A_405 : i32
      %ne3A = arith.cmpi ne, %sign3A_399, %sign3A_406 : i32
      %rem3A = arith.remsi %add3A_146, %jit3A : i32
      %ne3A_407 = arith.constant 0 : i32
      %ne3A_408 = arith.cmpi ne, %rem3A, %ne3A_407 : i32
      %and3A = arith.andi %ne3A, %ne3A_408 : i1
      %sub3A_409 = arith.constant 1 : i32
      %sub3A_410 = arith.subi %div3A, %sub3A_409 : i32
      %select_n3A = arith.select %and3A, %sub3A_410, %div3A : i32
      %mul3A_411 = arith.constant 128 : i32
      %mul3A_412 = arith.muli %select_n3A, %mul3A_411 : i32
      %multiple_of3A = tpu.assume_multiple %mul3A_412, 128 : i32
      %get3A_413 = arith.index_cast %add3A_146 : i32 to index
      %get3A_414 = memref.load %arg1[%get3A_413] : memref<1024xi32, #tpu.memory_space<smem>>
      %dma_start3A = arith.constant 0 : i32
      %dma_start3A_415 = tpu.memref_slice %arg8[%add3A_146, %dma_start3A] : memref<1024x128xf32, #tpu.memory_space<vmem>> -> memref<1x128xf32, #tpu.memory_space<vmem>>
      %dma_start3A_416 = tpu.memref_slice %arg3[%get3A_414, %multiple_of3A] : memref<100000x1024xf32, #tpu.memory_space<any>> -> memref<1x128xf32, #tpu.memory_space<any>>
      tpu.enqueue_dma source(%dma_start3A_416 : memref<1x128xf32, #tpu.memory_space<any>>) target(%dma_start3A_415 : memref<1x128xf32, #tpu.memory_space<vmem>>) target_semaphore(%arg9 : memref<!tpu.dma_semaphore, #tpu.memory_space<semaphore_mem>>)
    } else {
    }
    %mul3A_152 = arith.constant 41 : i32
    %mul3A_153 = arith.muli %arg0, %mul3A_152 : i32
    %add3A_154 = arith.constant 17 : i32
    %add3A_155 = arith.addi %mul3A_153, %add3A_154 : i32
    %lt3A_156 = arith.constant 1024 : i32
    %lt3A_157 = arith.cmpi slt, %add3A_155, %lt3A_156 : i32
    %convert_element_type3A_158 = arith.extui %lt3A_157 : i1 to i32
    %cond3A_159 = arith.constant 0 : i32
    %cond3A_160 = arith.cmpi ne, %convert_element_type3A_158, %cond3A_159 : i32
    scf.if %cond3A_160 {
      %jit3A = arith.constant 128 : i32
      %div3A = arith.divsi %add3A_155, %jit3A : i32
      %sign3A = arith.constant 0 : i32
      %sign3A_394 = arith.cmpi sgt, %add3A_155, %sign3A : i32
      %sign3A_395 = arith.extui %sign3A_394 : i1 to i32
      %sign3A_396 = arith.constant 0 : i32
      %sign3A_397 = arith.cmpi slt, %add3A_155, %sign3A_396 : i32
      %sign3A_398 = arith.extui %sign3A_397 : i1 to i32
      %sign3A_399 = arith.subi %sign3A_395, %sign3A_398 : i32
      %sign3A_400 = arith.constant 0 : i32
      %sign3A_401 = arith.cmpi sgt, %jit3A, %sign3A_400 : i32
      %sign3A_402 = arith.extui %sign3A_401 : i1 to i32
      %sign3A_403 = arith.constant 0 : i32
      %sign3A_404 = arith.cmpi slt, %jit3A, %sign3A_403 : i32
      %sign3A_405 = arith.extui %sign3A_404 : i1 to i32
      %sign3A_406 = arith.subi %sign3A_402, %sign3A_405 : i32
      %ne3A = arith.cmpi ne, %sign3A_399, %sign3A_406 : i32
      %rem3A = arith.remsi %add3A_155, %jit3A : i32
      %ne3A_407 = arith.constant 0 : i32
      %ne3A_408 = arith.cmpi ne, %rem3A, %ne3A_407 : i32
      %and3A = arith.andi %ne3A, %ne3A_408 : i1
      %sub3A_409 = arith.constant 1 : i32
      %sub3A_410 = arith.subi %div3A, %sub3A_409 : i32
      %select_n3A = arith.select %and3A, %sub3A_410, %div3A : i32
      %mul3A_411 = arith.constant 128 : i32
      %mul3A_412 = arith.muli %select_n3A, %mul3A_411 : i32
      %multiple_of3A = tpu.assume_multiple %mul3A_412, 128 : i32
      %get3A_413 = arith.index_cast %add3A_155 : i32 to index
      %get3A_414 = memref.load %arg1[%get3A_413] : memref<1024xi32, #tpu.memory_space<smem>>
      %dma_start3A = arith.constant 0 : i32
      %dma_start3A_415 = tpu.memref_slice %arg8[%add3A_155, %dma_start3A] : memref<1024x128xf32, #tpu.memory_space<vmem>> -> memref<1x128xf32, #tpu.memory_space<vmem>>
      %dma_start3A_416 = tpu.memref_slice %arg3[%get3A_414, %multiple_of3A] : memref<100000x1024xf32, #tpu.memory_space<any>> -> memref<1x128xf32, #tpu.memory_space<any>>
      tpu.enqueue_dma source(%dma_start3A_416 : memref<1x128xf32, #tpu.memory_space<any>>) target(%dma_start3A_415 : memref<1x128xf32, #tpu.memory_space<vmem>>) target_semaphore(%arg9 : memref<!tpu.dma_semaphore, #tpu.memory_space<semaphore_mem>>)
    } else {
    }
    %mul3A_161 = arith.constant 41 : i32
    %mul3A_162 = arith.muli %arg0, %mul3A_161 : i32
    %add3A_163 = arith.constant 18 : i32
    %add3A_164 = arith.addi %mul3A_162, %add3A_163 : i32
    %lt3A_165 = arith.constant 1024 : i32
    %lt3A_166 = arith.cmpi slt, %add3A_164, %lt3A_165 : i32
    %convert_element_type3A_167 = arith.extui %lt3A_166 : i1 to i32
    %cond3A_168 = arith.constant 0 : i32
    %cond3A_169 = arith.cmpi ne, %convert_element_type3A_167, %cond3A_168 : i32
    scf.if %cond3A_169 {
      %jit3A = arith.constant 128 : i32
      %div3A = arith.divsi %add3A_164, %jit3A : i32
      %sign3A = arith.constant 0 : i32
      %sign3A_394 = arith.cmpi sgt, %add3A_164, %sign3A : i32
      %sign3A_395 = arith.extui %sign3A_394 : i1 to i32
      %sign3A_396 = arith.constant 0 : i32
      %sign3A_397 = arith.cmpi slt, %add3A_164, %sign3A_396 : i32
      %sign3A_398 = arith.extui %sign3A_397 : i1 to i32
      %sign3A_399 = arith.subi %sign3A_395, %sign3A_398 : i32
      %sign3A_400 = arith.constant 0 : i32
      %sign3A_401 = arith.cmpi sgt, %jit3A, %sign3A_400 : i32
      %sign3A_402 = arith.extui %sign3A_401 : i1 to i32
      %sign3A_403 = arith.constant 0 : i32
      %sign3A_404 = arith.cmpi slt, %jit3A, %sign3A_403 : i32
      %sign3A_405 = arith.extui %sign3A_404 : i1 to i32
      %sign3A_406 = arith.subi %sign3A_402, %sign3A_405 : i32
      %ne3A = arith.cmpi ne, %sign3A_399, %sign3A_406 : i32
      %rem3A = arith.remsi %add3A_164, %jit3A : i32
      %ne3A_407 = arith.constant 0 : i32
      %ne3A_408 = arith.cmpi ne, %rem3A, %ne3A_407 : i32
      %and3A = arith.andi %ne3A, %ne3A_408 : i1
      %sub3A_409 = arith.constant 1 : i32
      %sub3A_410 = arith.subi %div3A, %sub3A_409 : i32
      %select_n3A = arith.select %and3A, %sub3A_410, %div3A : i32
      %mul3A_411 = arith.constant 128 : i32
      %mul3A_412 = arith.muli %select_n3A, %mul3A_411 : i32
      %multiple_of3A = tpu.assume_multiple %mul3A_412, 128 : i32
      %get3A_413 = arith.index_cast %add3A_164 : i32 to index
      %get3A_414 = memref.load %arg1[%get3A_413] : memref<1024xi32, #tpu.memory_space<smem>>
      %dma_start3A = arith.constant 0 : i32
      %dma_start3A_415 = tpu.memref_slice %arg8[%add3A_164, %dma_start3A] : memref<1024x128xf32, #tpu.memory_space<vmem>> -> memref<1x128xf32, #tpu.memory_space<vmem>>
      %dma_start3A_416 = tpu.memref_slice %arg3[%get3A_414, %multiple_of3A] : memref<100000x1024xf32, #tpu.memory_space<any>> -> memref<1x128xf32, #tpu.memory_space<any>>
      tpu.enqueue_dma source(%dma_start3A_416 : memref<1x128xf32, #tpu.memory_space<any>>) target(%dma_start3A_415 : memref<1x128xf32, #tpu.memory_space<vmem>>) target_semaphore(%arg9 : memref<!tpu.dma_semaphore, #tpu.memory_space<semaphore_mem>>)
    } else {
    }
    %mul3A_170 = arith.constant 41 : i32
    %mul3A_171 = arith.muli %arg0, %mul3A_170 : i32
    %add3A_172 = arith.constant 19 : i32
    %add3A_173 = arith.addi %mul3A_171, %add3A_172 : i32
    %lt3A_174 = arith.constant 1024 : i32
    %lt3A_175 = arith.cmpi slt, %add3A_173, %lt3A_174 : i32
    %convert_element_type3A_176 = arith.extui %lt3A_175 : i1 to i32
    %cond3A_177 = arith.constant 0 : i32
    %cond3A_178 = arith.cmpi ne, %convert_element_type3A_176, %cond3A_177 : i32
    scf.if %cond3A_178 {
      %jit3A = arith.constant 128 : i32
      %div3A = arith.divsi %add3A_173, %jit3A : i32
      %sign3A = arith.constant 0 : i32
      %sign3A_394 = arith.cmpi sgt, %add3A_173, %sign3A : i32
      %sign3A_395 = arith.extui %sign3A_394 : i1 to i32
      %sign3A_396 = arith.constant 0 : i32
      %sign3A_397 = arith.cmpi slt, %add3A_173, %sign3A_396 : i32
      %sign3A_398 = arith.extui %sign3A_397 : i1 to i32
      %sign3A_399 = arith.subi %sign3A_395, %sign3A_398 : i32
      %sign3A_400 = arith.constant 0 : i32
      %sign3A_401 = arith.cmpi sgt, %jit3A, %sign3A_400 : i32
      %sign3A_402 = arith.extui %sign3A_401 : i1 to i32
      %sign3A_403 = arith.constant 0 : i32
      %sign3A_404 = arith.cmpi slt, %jit3A, %sign3A_403 : i32
      %sign3A_405 = arith.extui %sign3A_404 : i1 to i32
      %sign3A_406 = arith.subi %sign3A_402, %sign3A_405 : i32
      %ne3A = arith.cmpi ne, %sign3A_399, %sign3A_406 : i32
      %rem3A = arith.remsi %add3A_173, %jit3A : i32
      %ne3A_407 = arith.constant 0 : i32
      %ne3A_408 = arith.cmpi ne, %rem3A, %ne3A_407 : i32
      %and3A = arith.andi %ne3A, %ne3A_408 : i1
      %sub3A_409 = arith.constant 1 : i32
      %sub3A_410 = arith.subi %div3A, %sub3A_409 : i32
      %select_n3A = arith.select %and3A, %sub3A_410, %div3A : i32
      %mul3A_411 = arith.constant 128 : i32
      %mul3A_412 = arith.muli %select_n3A, %mul3A_411 : i32
      %multiple_of3A = tpu.assume_multiple %mul3A_412, 128 : i32
      %get3A_413 = arith.index_cast %add3A_173 : i32 to index
      %get3A_414 = memref.load %arg1[%get3A_413] : memref<1024xi32, #tpu.memory_space<smem>>
      %dma_start3A = arith.constant 0 : i32
      %dma_start3A_415 = tpu.memref_slice %arg8[%add3A_173, %dma_start3A] : memref<1024x128xf32, #tpu.memory_space<vmem>> -> memref<1x128xf32, #tpu.memory_space<vmem>>
      %dma_start3A_416 = tpu.memref_slice %arg3[%get3A_414, %multiple_of3A] : memref<100000x1024xf32, #tpu.memory_space<any>> -> memref<1x128xf32, #tpu.memory_space<any>>
      tpu.enqueue_dma source(%dma_start3A_416 : memref<1x128xf32, #tpu.memory_space<any>>) target(%dma_start3A_415 : memref<1x128xf32, #tpu.memory_space<vmem>>) target_semaphore(%arg9 : memref<!tpu.dma_semaphore, #tpu.memory_space<semaphore_mem>>)
    } else {
    }
    %mul3A_179 = arith.constant 41 : i32
    %mul3A_180 = arith.muli %arg0, %mul3A_179 : i32
    %add3A_181 = arith.constant 20 : i32
    %add3A_182 = arith.addi %mul3A_180, %add3A_181 : i32
    %lt3A_183 = arith.constant 1024 : i32
    %lt3A_184 = arith.cmpi slt, %add3A_182, %lt3A_183 : i32
    %convert_element_type3A_185 = arith.extui %lt3A_184 : i1 to i32
    %cond3A_186 = arith.constant 0 : i32
    %cond3A_187 = arith.cmpi ne, %convert_element_type3A_185, %cond3A_186 : i32
    scf.if %cond3A_187 {
      %jit3A = arith.constant 128 : i32
      %div3A = arith.divsi %add3A_182, %jit3A : i32
      %sign3A = arith.constant 0 : i32
      %sign3A_394 = arith.cmpi sgt, %add3A_182, %sign3A : i32
      %sign3A_395 = arith.extui %sign3A_394 : i1 to i32
      %sign3A_396 = arith.constant 0 : i32
      %sign3A_397 = arith.cmpi slt, %add3A_182, %sign3A_396 : i32
      %sign3A_398 = arith.extui %sign3A_397 : i1 to i32
      %sign3A_399 = arith.subi %sign3A_395, %sign3A_398 : i32
      %sign3A_400 = arith.constant 0 : i32
      %sign3A_401 = arith.cmpi sgt, %jit3A, %sign3A_400 : i32
      %sign3A_402 = arith.extui %sign3A_401 : i1 to i32
      %sign3A_403 = arith.constant 0 : i32
      %sign3A_404 = arith.cmpi slt, %jit3A, %sign3A_403 : i32
      %sign3A_405 = arith.extui %sign3A_404 : i1 to i32
      %sign3A_406 = arith.subi %sign3A_402, %sign3A_405 : i32
      %ne3A = arith.cmpi ne, %sign3A_399, %sign3A_406 : i32
      %rem3A = arith.remsi %add3A_182, %jit3A : i32
      %ne3A_407 = arith.constant 0 : i32
      %ne3A_408 = arith.cmpi ne, %rem3A, %ne3A_407 : i32
      %and3A = arith.andi %ne3A, %ne3A_408 : i1
      %sub3A_409 = arith.constant 1 : i32
      %sub3A_410 = arith.subi %div3A, %sub3A_409 : i32
      %select_n3A = arith.select %and3A, %sub3A_410, %div3A : i32
      %mul3A_411 = arith.constant 128 : i32
      %mul3A_412 = arith.muli %select_n3A, %mul3A_411 : i32
      %multiple_of3A = tpu.assume_multiple %mul3A_412, 128 : i32
      %get3A_413 = arith.index_cast %add3A_182 : i32 to index
      %get3A_414 = memref.load %arg1[%get3A_413] : memref<1024xi32, #tpu.memory_space<smem>>
      %dma_start3A = arith.constant 0 : i32
      %dma_start3A_415 = tpu.memref_slice %arg8[%add3A_182, %dma_start3A] : memref<1024x128xf32, #tpu.memory_space<vmem>> -> memref<1x128xf32, #tpu.memory_space<vmem>>
      %dma_start3A_416 = tpu.memref_slice %arg3[%get3A_414, %multiple_of3A] : memref<100000x1024xf32, #tpu.memory_space<any>> -> memref<1x128xf32, #tpu.memory_space<any>>
      tpu.enqueue_dma source(%dma_start3A_416 : memref<1x128xf32, #tpu.memory_space<any>>) target(%dma_start3A_415 : memref<1x128xf32, #tpu.memory_space<vmem>>) target_semaphore(%arg9 : memref<!tpu.dma_semaphore, #tpu.memory_space<semaphore_mem>>)
    } else {
    }
    %mul3A_188 = arith.constant 41 : i32
    %mul3A_189 = arith.muli %arg0, %mul3A_188 : i32
    %add3A_190 = arith.constant 21 : i32
    %add3A_191 = arith.addi %mul3A_189, %add3A_190 : i32
    %lt3A_192 = arith.constant 1024 : i32
    %lt3A_193 = arith.cmpi slt, %add3A_191, %lt3A_192 : i32
    %convert_element_type3A_194 = arith.extui %lt3A_193 : i1 to i32
    %cond3A_195 = arith.constant 0 : i32
    %cond3A_196 = arith.cmpi ne, %convert_element_type3A_194, %cond3A_195 : i32
    scf.if %cond3A_196 {
      %jit3A = arith.constant 128 : i32
      %div3A = arith.divsi %add3A_191, %jit3A : i32
      %sign3A = arith.constant 0 : i32
      %sign3A_394 = arith.cmpi sgt, %add3A_191, %sign3A : i32
      %sign3A_395 = arith.extui %sign3A_394 : i1 to i32
      %sign3A_396 = arith.constant 0 : i32
      %sign3A_397 = arith.cmpi slt, %add3A_191, %sign3A_396 : i32
      %sign3A_398 = arith.extui %sign3A_397 : i1 to i32
      %sign3A_399 = arith.subi %sign3A_395, %sign3A_398 : i32
      %sign3A_400 = arith.constant 0 : i32
      %sign3A_401 = arith.cmpi sgt, %jit3A, %sign3A_400 : i32
      %sign3A_402 = arith.extui %sign3A_401 : i1 to i32
      %sign3A_403 = arith.constant 0 : i32
      %sign3A_404 = arith.cmpi slt, %jit3A, %sign3A_403 : i32
      %sign3A_405 = arith.extui %sign3A_404 : i1 to i32
      %sign3A_406 = arith.subi %sign3A_402, %sign3A_405 : i32
      %ne3A = arith.cmpi ne, %sign3A_399, %sign3A_406 : i32
      %rem3A = arith.remsi %add3A_191, %jit3A : i32
      %ne3A_407 = arith.constant 0 : i32
      %ne3A_408 = arith.cmpi ne, %rem3A, %ne3A_407 : i32
      %and3A = arith.andi %ne3A, %ne3A_408 : i1
      %sub3A_409 = arith.constant 1 : i32
      %sub3A_410 = arith.subi %div3A, %sub3A_409 : i32
      %select_n3A = arith.select %and3A, %sub3A_410, %div3A : i32
      %mul3A_411 = arith.constant 128 : i32
      %mul3A_412 = arith.muli %select_n3A, %mul3A_411 : i32
      %multiple_of3A = tpu.assume_multiple %mul3A_412, 128 : i32
      %get3A_413 = arith.index_cast %add3A_191 : i32 to index
      %get3A_414 = memref.load %arg1[%get3A_413] : memref<1024xi32, #tpu.memory_space<smem>>
      %dma_start3A = arith.constant 0 : i32
      %dma_start3A_415 = tpu.memref_slice %arg8[%add3A_191, %dma_start3A] : memref<1024x128xf32, #tpu.memory_space<vmem>> -> memref<1x128xf32, #tpu.memory_space<vmem>>
      %dma_start3A_416 = tpu.memref_slice %arg3[%get3A_414, %multiple_of3A] : memref<100000x1024xf32, #tpu.memory_space<any>> -> memref<1x128xf32, #tpu.memory_space<any>>
      tpu.enqueue_dma source(%dma_start3A_416 : memref<1x128xf32, #tpu.memory_space<any>>) target(%dma_start3A_415 : memref<1x128xf32, #tpu.memory_space<vmem>>) target_semaphore(%arg9 : memref<!tpu.dma_semaphore, #tpu.memory_space<semaphore_mem>>)
    } else {
    }
    %mul3A_197 = arith.constant 41 : i32
    %mul3A_198 = arith.muli %arg0, %mul3A_197 : i32
    %add3A_199 = arith.constant 22 : i32
    %add3A_200 = arith.addi %mul3A_198, %add3A_199 : i32
    %lt3A_201 = arith.constant 1024 : i32
    %lt3A_202 = arith.cmpi slt, %add3A_200, %lt3A_201 : i32
    %convert_element_type3A_203 = arith.extui %lt3A_202 : i1 to i32
    %cond3A_204 = arith.constant 0 : i32
    %cond3A_205 = arith.cmpi ne, %convert_element_type3A_203, %cond3A_204 : i32
    scf.if %cond3A_205 {
      %jit3A = arith.constant 128 : i32
      %div3A = arith.divsi %add3A_200, %jit3A : i32
      %sign3A = arith.constant 0 : i32
      %sign3A_394 = arith.cmpi sgt, %add3A_200, %sign3A : i32
      %sign3A_395 = arith.extui %sign3A_394 : i1 to i32
      %sign3A_396 = arith.constant 0 : i32
      %sign3A_397 = arith.cmpi slt, %add3A_200, %sign3A_396 : i32
      %sign3A_398 = arith.extui %sign3A_397 : i1 to i32
      %sign3A_399 = arith.subi %sign3A_395, %sign3A_398 : i32
      %sign3A_400 = arith.constant 0 : i32
      %sign3A_401 = arith.cmpi sgt, %jit3A, %sign3A_400 : i32
      %sign3A_402 = arith.extui %sign3A_401 : i1 to i32
      %sign3A_403 = arith.constant 0 : i32
      %sign3A_404 = arith.cmpi slt, %jit3A, %sign3A_403 : i32
      %sign3A_405 = arith.extui %sign3A_404 : i1 to i32
      %sign3A_406 = arith.subi %sign3A_402, %sign3A_405 : i32
      %ne3A = arith.cmpi ne, %sign3A_399, %sign3A_406 : i32
      %rem3A = arith.remsi %add3A_200, %jit3A : i32
      %ne3A_407 = arith.constant 0 : i32
      %ne3A_408 = arith.cmpi ne, %rem3A, %ne3A_407 : i32
      %and3A = arith.andi %ne3A, %ne3A_408 : i1
      %sub3A_409 = arith.constant 1 : i32
      %sub3A_410 = arith.subi %div3A, %sub3A_409 : i32
      %select_n3A = arith.select %and3A, %sub3A_410, %div3A : i32
      %mul3A_411 = arith.constant 128 : i32
      %mul3A_412 = arith.muli %select_n3A, %mul3A_411 : i32
      %multiple_of3A = tpu.assume_multiple %mul3A_412, 128 : i32
      %get3A_413 = arith.index_cast %add3A_200 : i32 to index
      %get3A_414 = memref.load %arg1[%get3A_413] : memref<1024xi32, #tpu.memory_space<smem>>
      %dma_start3A = arith.constant 0 : i32
      %dma_start3A_415 = tpu.memref_slice %arg8[%add3A_200, %dma_start3A] : memref<1024x128xf32, #tpu.memory_space<vmem>> -> memref<1x128xf32, #tpu.memory_space<vmem>>
      %dma_start3A_416 = tpu.memref_slice %arg3[%get3A_414, %multiple_of3A] : memref<100000x1024xf32, #tpu.memory_space<any>> -> memref<1x128xf32, #tpu.memory_space<any>>
      tpu.enqueue_dma source(%dma_start3A_416 : memref<1x128xf32, #tpu.memory_space<any>>) target(%dma_start3A_415 : memref<1x128xf32, #tpu.memory_space<vmem>>) target_semaphore(%arg9 : memref<!tpu.dma_semaphore, #tpu.memory_space<semaphore_mem>>)
    } else {
    }
    %mul3A_206 = arith.constant 41 : i32
    %mul3A_207 = arith.muli %arg0, %mul3A_206 : i32
    %add3A_208 = arith.constant 23 : i32
    %add3A_209 = arith.addi %mul3A_207, %add3A_208 : i32
    %lt3A_210 = arith.constant 1024 : i32
    %lt3A_211 = arith.cmpi slt, %add3A_209, %lt3A_210 : i32
    %convert_element_type3A_212 = arith.extui %lt3A_211 : i1 to i32
    %cond3A_213 = arith.constant 0 : i32
    %cond3A_214 = arith.cmpi ne, %convert_element_type3A_212, %cond3A_213 : i32
    scf.if %cond3A_214 {
      %jit3A = arith.constant 128 : i32
      %div3A = arith.divsi %add3A_209, %jit3A : i32
      %sign3A = arith.constant 0 : i32
      %sign3A_394 = arith.cmpi sgt, %add3A_209, %sign3A : i32
      %sign3A_395 = arith.extui %sign3A_394 : i1 to i32
      %sign3A_396 = arith.constant 0 : i32
      %sign3A_397 = arith.cmpi slt, %add3A_209, %sign3A_396 : i32
      %sign3A_398 = arith.extui %sign3A_397 : i1 to i32
      %sign3A_399 = arith.subi %sign3A_395, %sign3A_398 : i32
      %sign3A_400 = arith.constant 0 : i32
      %sign3A_401 = arith.cmpi sgt, %jit3A, %sign3A_400 : i32
      %sign3A_402 = arith.extui %sign3A_401 : i1 to i32
      %sign3A_403 = arith.constant 0 : i32
      %sign3A_404 = arith.cmpi slt, %jit3A, %sign3A_403 : i32
      %sign3A_405 = arith.extui %sign3A_404 : i1 to i32
      %sign3A_406 = arith.subi %sign3A_402, %sign3A_405 : i32
      %ne3A = arith.cmpi ne, %sign3A_399, %sign3A_406 : i32
      %rem3A = arith.remsi %add3A_209, %jit3A : i32
      %ne3A_407 = arith.constant 0 : i32
      %ne3A_408 = arith.cmpi ne, %rem3A, %ne3A_407 : i32
      %and3A = arith.andi %ne3A, %ne3A_408 : i1
      %sub3A_409 = arith.constant 1 : i32
      %sub3A_410 = arith.subi %div3A, %sub3A_409 : i32
      %select_n3A = arith.select %and3A, %sub3A_410, %div3A : i32
      %mul3A_411 = arith.constant 128 : i32
      %mul3A_412 = arith.muli %select_n3A, %mul3A_411 : i32
      %multiple_of3A = tpu.assume_multiple %mul3A_412, 128 : i32
      %get3A_413 = arith.index_cast %add3A_209 : i32 to index
      %get3A_414 = memref.load %arg1[%get3A_413] : memref<1024xi32, #tpu.memory_space<smem>>
      %dma_start3A = arith.constant 0 : i32
      %dma_start3A_415 = tpu.memref_slice %arg8[%add3A_209, %dma_start3A] : memref<1024x128xf32, #tpu.memory_space<vmem>> -> memref<1x128xf32, #tpu.memory_space<vmem>>
      %dma_start3A_416 = tpu.memref_slice %arg3[%get3A_414, %multiple_of3A] : memref<100000x1024xf32, #tpu.memory_space<any>> -> memref<1x128xf32, #tpu.memory_space<any>>
      tpu.enqueue_dma source(%dma_start3A_416 : memref<1x128xf32, #tpu.memory_space<any>>) target(%dma_start3A_415 : memref<1x128xf32, #tpu.memory_space<vmem>>) target_semaphore(%arg9 : memref<!tpu.dma_semaphore, #tpu.memory_space<semaphore_mem>>)
    } else {
    }
    %mul3A_215 = arith.constant 41 : i32
    %mul3A_216 = arith.muli %arg0, %mul3A_215 : i32
    %add3A_217 = arith.constant 24 : i32
    %add3A_218 = arith.addi %mul3A_216, %add3A_217 : i32
    %lt3A_219 = arith.constant 1024 : i32
    %lt3A_220 = arith.cmpi slt, %add3A_218, %lt3A_219 : i32
    %convert_element_type3A_221 = arith.extui %lt3A_220 : i1 to i32
    %cond3A_222 = arith.constant 0 : i32
    %cond3A_223 = arith.cmpi ne, %convert_element_type3A_221, %cond3A_222 : i32
    scf.if %cond3A_223 {
      %jit3A = arith.constant 128 : i32
      %div3A = arith.divsi %add3A_218, %jit3A : i32
      %sign3A = arith.constant 0 : i32
      %sign3A_394 = arith.cmpi sgt, %add3A_218, %sign3A : i32
      %sign3A_395 = arith.extui %sign3A_394 : i1 to i32
      %sign3A_396 = arith.constant 0 : i32
      %sign3A_397 = arith.cmpi slt, %add3A_218, %sign3A_396 : i32
      %sign3A_398 = arith.extui %sign3A_397 : i1 to i32
      %sign3A_399 = arith.subi %sign3A_395, %sign3A_398 : i32
      %sign3A_400 = arith.constant 0 : i32
      %sign3A_401 = arith.cmpi sgt, %jit3A, %sign3A_400 : i32
      %sign3A_402 = arith.extui %sign3A_401 : i1 to i32
      %sign3A_403 = arith.constant 0 : i32
      %sign3A_404 = arith.cmpi slt, %jit3A, %sign3A_403 : i32
      %sign3A_405 = arith.extui %sign3A_404 : i1 to i32
      %sign3A_406 = arith.subi %sign3A_402, %sign3A_405 : i32
      %ne3A = arith.cmpi ne, %sign3A_399, %sign3A_406 : i32
      %rem3A = arith.remsi %add3A_218, %jit3A : i32
      %ne3A_407 = arith.constant 0 : i32
      %ne3A_408 = arith.cmpi ne, %rem3A, %ne3A_407 : i32
      %and3A = arith.andi %ne3A, %ne3A_408 : i1
      %sub3A_409 = arith.constant 1 : i32
      %sub3A_410 = arith.subi %div3A, %sub3A_409 : i32
      %select_n3A = arith.select %and3A, %sub3A_410, %div3A : i32
      %mul3A_411 = arith.constant 128 : i32
      %mul3A_412 = arith.muli %select_n3A, %mul3A_411 : i32
      %multiple_of3A = tpu.assume_multiple %mul3A_412, 128 : i32
      %get3A_413 = arith.index_cast %add3A_218 : i32 to index
      %get3A_414 = memref.load %arg1[%get3A_413] : memref<1024xi32, #tpu.memory_space<smem>>
      %dma_start3A = arith.constant 0 : i32
      %dma_start3A_415 = tpu.memref_slice %arg8[%add3A_218, %dma_start3A] : memref<1024x128xf32, #tpu.memory_space<vmem>> -> memref<1x128xf32, #tpu.memory_space<vmem>>
      %dma_start3A_416 = tpu.memref_slice %arg3[%get3A_414, %multiple_of3A] : memref<100000x1024xf32, #tpu.memory_space<any>> -> memref<1x128xf32, #tpu.memory_space<any>>
      tpu.enqueue_dma source(%dma_start3A_416 : memref<1x128xf32, #tpu.memory_space<any>>) target(%dma_start3A_415 : memref<1x128xf32, #tpu.memory_space<vmem>>) target_semaphore(%arg9 : memref<!tpu.dma_semaphore, #tpu.memory_space<semaphore_mem>>)
    } else {
    }
    %mul3A_224 = arith.constant 41 : i32
    %mul3A_225 = arith.muli %arg0, %mul3A_224 : i32
    %add3A_226 = arith.constant 25 : i32
    %add3A_227 = arith.addi %mul3A_225, %add3A_226 : i32
    %lt3A_228 = arith.constant 1024 : i32
    %lt3A_229 = arith.cmpi slt, %add3A_227, %lt3A_228 : i32
    %convert_element_type3A_230 = arith.extui %lt3A_229 : i1 to i32
    %cond3A_231 = arith.constant 0 : i32
    %cond3A_232 = arith.cmpi ne, %convert_element_type3A_230, %cond3A_231 : i32
    scf.if %cond3A_232 {
      %jit3A = arith.constant 128 : i32
      %div3A = arith.divsi %add3A_227, %jit3A : i32
      %sign3A = arith.constant 0 : i32
      %sign3A_394 = arith.cmpi sgt, %add3A_227, %sign3A : i32
      %sign3A_395 = arith.extui %sign3A_394 : i1 to i32
      %sign3A_396 = arith.constant 0 : i32
      %sign3A_397 = arith.cmpi slt, %add3A_227, %sign3A_396 : i32
      %sign3A_398 = arith.extui %sign3A_397 : i1 to i32
      %sign3A_399 = arith.subi %sign3A_395, %sign3A_398 : i32
      %sign3A_400 = arith.constant 0 : i32
      %sign3A_401 = arith.cmpi sgt, %jit3A, %sign3A_400 : i32
      %sign3A_402 = arith.extui %sign3A_401 : i1 to i32
      %sign3A_403 = arith.constant 0 : i32
      %sign3A_404 = arith.cmpi slt, %jit3A, %sign3A_403 : i32
      %sign3A_405 = arith.extui %sign3A_404 : i1 to i32
      %sign3A_406 = arith.subi %sign3A_402, %sign3A_405 : i32
      %ne3A = arith.cmpi ne, %sign3A_399, %sign3A_406 : i32
      %rem3A = arith.remsi %add3A_227, %jit3A : i32
      %ne3A_407 = arith.constant 0 : i32
      %ne3A_408 = arith.cmpi ne, %rem3A, %ne3A_407 : i32
      %and3A = arith.andi %ne3A, %ne3A_408 : i1
      %sub3A_409 = arith.constant 1 : i32
      %sub3A_410 = arith.subi %div3A, %sub3A_409 : i32
      %select_n3A = arith.select %and3A, %sub3A_410, %div3A : i32
      %mul3A_411 = arith.constant 128 : i32
      %mul3A_412 = arith.muli %select_n3A, %mul3A_411 : i32
      %multiple_of3A = tpu.assume_multiple %mul3A_412, 128 : i32
      %get3A_413 = arith.index_cast %add3A_227 : i32 to index
      %get3A_414 = memref.load %arg1[%get3A_413] : memref<1024xi32, #tpu.memory_space<smem>>
      %dma_start3A = arith.constant 0 : i32
      %dma_start3A_415 = tpu.memref_slice %arg8[%add3A_227, %dma_start3A] : memref<1024x128xf32, #tpu.memory_space<vmem>> -> memref<1x128xf32, #tpu.memory_space<vmem>>
      %dma_start3A_416 = tpu.memref_slice %arg3[%get3A_414, %multiple_of3A] : memref<100000x1024xf32, #tpu.memory_space<any>> -> memref<1x128xf32, #tpu.memory_space<any>>
      tpu.enqueue_dma source(%dma_start3A_416 : memref<1x128xf32, #tpu.memory_space<any>>) target(%dma_start3A_415 : memref<1x128xf32, #tpu.memory_space<vmem>>) target_semaphore(%arg9 : memref<!tpu.dma_semaphore, #tpu.memory_space<semaphore_mem>>)
    } else {
    }
    %mul3A_233 = arith.constant 41 : i32
    %mul3A_234 = arith.muli %arg0, %mul3A_233 : i32
    %add3A_235 = arith.constant 26 : i32
    %add3A_236 = arith.addi %mul3A_234, %add3A_235 : i32
    %lt3A_237 = arith.constant 1024 : i32
    %lt3A_238 = arith.cmpi slt, %add3A_236, %lt3A_237 : i32
    %convert_element_type3A_239 = arith.extui %lt3A_238 : i1 to i32
    %cond3A_240 = arith.constant 0 : i32
    %cond3A_241 = arith.cmpi ne, %convert_element_type3A_239, %cond3A_240 : i32
    scf.if %cond3A_241 {
      %jit3A = arith.constant 128 : i32
      %div3A = arith.divsi %add3A_236, %jit3A : i32
      %sign3A = arith.constant 0 : i32
      %sign3A_394 = arith.cmpi sgt, %add3A_236, %sign3A : i32
      %sign3A_395 = arith.extui %sign3A_394 : i1 to i32
      %sign3A_396 = arith.constant 0 : i32
      %sign3A_397 = arith.cmpi slt, %add3A_236, %sign3A_396 : i32
      %sign3A_398 = arith.extui %sign3A_397 : i1 to i32
      %sign3A_399 = arith.subi %sign3A_395, %sign3A_398 : i32
      %sign3A_400 = arith.constant 0 : i32
      %sign3A_401 = arith.cmpi sgt, %jit3A, %sign3A_400 : i32
      %sign3A_402 = arith.extui %sign3A_401 : i1 to i32
      %sign3A_403 = arith.constant 0 : i32
      %sign3A_404 = arith.cmpi slt, %jit3A, %sign3A_403 : i32
      %sign3A_405 = arith.extui %sign3A_404 : i1 to i32
      %sign3A_406 = arith.subi %sign3A_402, %sign3A_405 : i32
      %ne3A = arith.cmpi ne, %sign3A_399, %sign3A_406 : i32
      %rem3A = arith.remsi %add3A_236, %jit3A : i32
      %ne3A_407 = arith.constant 0 : i32
      %ne3A_408 = arith.cmpi ne, %rem3A, %ne3A_407 : i32
      %and3A = arith.andi %ne3A, %ne3A_408 : i1
      %sub3A_409 = arith.constant 1 : i32
      %sub3A_410 = arith.subi %div3A, %sub3A_409 : i32
      %select_n3A = arith.select %and3A, %sub3A_410, %div3A : i32
      %mul3A_411 = arith.constant 128 : i32
      %mul3A_412 = arith.muli %select_n3A, %mul3A_411 : i32
      %multiple_of3A = tpu.assume_multiple %mul3A_412, 128 : i32
      %get3A_413 = arith.index_cast %add3A_236 : i32 to index
      %get3A_414 = memref.load %arg1[%get3A_413] : memref<1024xi32, #tpu.memory_space<smem>>
      %dma_start3A = arith.constant 0 : i32
      %dma_start3A_415 = tpu.memref_slice %arg8[%add3A_236, %dma_start3A] : memref<1024x128xf32, #tpu.memory_space<vmem>> -> memref<1x128xf32, #tpu.memory_space<vmem>>
      %dma_start3A_416 = tpu.memref_slice %arg3[%get3A_414, %multiple_of3A] : memref<100000x1024xf32, #tpu.memory_space<any>> -> memref<1x128xf32, #tpu.memory_space<any>>
      tpu.enqueue_dma source(%dma_start3A_416 : memref<1x128xf32, #tpu.memory_space<any>>) target(%dma_start3A_415 : memref<1x128xf32, #tpu.memory_space<vmem>>) target_semaphore(%arg9 : memref<!tpu.dma_semaphore, #tpu.memory_space<semaphore_mem>>)
    } else {
    }
    %mul3A_242 = arith.constant 41 : i32
    %mul3A_243 = arith.muli %arg0, %mul3A_242 : i32
    %add3A_244 = arith.constant 27 : i32
    %add3A_245 = arith.addi %mul3A_243, %add3A_244 : i32
    %lt3A_246 = arith.constant 1024 : i32
    %lt3A_247 = arith.cmpi slt, %add3A_245, %lt3A_246 : i32
    %convert_element_type3A_248 = arith.extui %lt3A_247 : i1 to i32
    %cond3A_249 = arith.constant 0 : i32
    %cond3A_250 = arith.cmpi ne, %convert_element_type3A_248, %cond3A_249 : i32
    scf.if %cond3A_250 {
      %jit3A = arith.constant 128 : i32
      %div3A = arith.divsi %add3A_245, %jit3A : i32
      %sign3A = arith.constant 0 : i32
      %sign3A_394 = arith.cmpi sgt, %add3A_245, %sign3A : i32
      %sign3A_395 = arith.extui %sign3A_394 : i1 to i32
      %sign3A_396 = arith.constant 0 : i32
      %sign3A_397 = arith.cmpi slt, %add3A_245, %sign3A_396 : i32
      %sign3A_398 = arith.extui %sign3A_397 : i1 to i32
      %sign3A_399 = arith.subi %sign3A_395, %sign3A_398 : i32
      %sign3A_400 = arith.constant 0 : i32
      %sign3A_401 = arith.cmpi sgt, %jit3A, %sign3A_400 : i32
      %sign3A_402 = arith.extui %sign3A_401 : i1 to i32
      %sign3A_403 = arith.constant 0 : i32
      %sign3A_404 = arith.cmpi slt, %jit3A, %sign3A_403 : i32
      %sign3A_405 = arith.extui %sign3A_404 : i1 to i32
      %sign3A_406 = arith.subi %sign3A_402, %sign3A_405 : i32
      %ne3A = arith.cmpi ne, %sign3A_399, %sign3A_406 : i32
      %rem3A = arith.remsi %add3A_245, %jit3A : i32
      %ne3A_407 = arith.constant 0 : i32
      %ne3A_408 = arith.cmpi ne, %rem3A, %ne3A_407 : i32
      %and3A = arith.andi %ne3A, %ne3A_408 : i1
      %sub3A_409 = arith.constant 1 : i32
      %sub3A_410 = arith.subi %div3A, %sub3A_409 : i32
      %select_n3A = arith.select %and3A, %sub3A_410, %div3A : i32
      %mul3A_411 = arith.constant 128 : i32
      %mul3A_412 = arith.muli %select_n3A, %mul3A_411 : i32
      %multiple_of3A = tpu.assume_multiple %mul3A_412, 128 : i32
      %get3A_413 = arith.index_cast %add3A_245 : i32 to index
      %get3A_414 = memref.load %arg1[%get3A_413] : memref<1024xi32, #tpu.memory_space<smem>>
      %dma_start3A = arith.constant 0 : i32
      %dma_start3A_415 = tpu.memref_slice %arg8[%add3A_245, %dma_start3A] : memref<1024x128xf32, #tpu.memory_space<vmem>> -> memref<1x128xf32, #tpu.memory_space<vmem>>
      %dma_start3A_416 = tpu.memref_slice %arg3[%get3A_414, %multiple_of3A] : memref<100000x1024xf32, #tpu.memory_space<any>> -> memref<1x128xf32, #tpu.memory_space<any>>
      tpu.enqueue_dma source(%dma_start3A_416 : memref<1x128xf32, #tpu.memory_space<any>>) target(%dma_start3A_415 : memref<1x128xf32, #tpu.memory_space<vmem>>) target_semaphore(%arg9 : memref<!tpu.dma_semaphore, #tpu.memory_space<semaphore_mem>>)
    } else {
    }
    %mul3A_251 = arith.constant 41 : i32
    %mul3A_252 = arith.muli %arg0, %mul3A_251 : i32
    %add3A_253 = arith.constant 28 : i32
    %add3A_254 = arith.addi %mul3A_252, %add3A_253 : i32
    %lt3A_255 = arith.constant 1024 : i32
    %lt3A_256 = arith.cmpi slt, %add3A_254, %lt3A_255 : i32
    %convert_element_type3A_257 = arith.extui %lt3A_256 : i1 to i32
    %cond3A_258 = arith.constant 0 : i32
    %cond3A_259 = arith.cmpi ne, %convert_element_type3A_257, %cond3A_258 : i32
    scf.if %cond3A_259 {
      %jit3A = arith.constant 128 : i32
      %div3A = arith.divsi %add3A_254, %jit3A : i32
      %sign3A = arith.constant 0 : i32
      %sign3A_394 = arith.cmpi sgt, %add3A_254, %sign3A : i32
      %sign3A_395 = arith.extui %sign3A_394 : i1 to i32
      %sign3A_396 = arith.constant 0 : i32
      %sign3A_397 = arith.cmpi slt, %add3A_254, %sign3A_396 : i32
      %sign3A_398 = arith.extui %sign3A_397 : i1 to i32
      %sign3A_399 = arith.subi %sign3A_395, %sign3A_398 : i32
      %sign3A_400 = arith.constant 0 : i32
      %sign3A_401 = arith.cmpi sgt, %jit3A, %sign3A_400 : i32
      %sign3A_402 = arith.extui %sign3A_401 : i1 to i32
      %sign3A_403 = arith.constant 0 : i32
      %sign3A_404 = arith.cmpi slt, %jit3A, %sign3A_403 : i32
      %sign3A_405 = arith.extui %sign3A_404 : i1 to i32
      %sign3A_406 = arith.subi %sign3A_402, %sign3A_405 : i32
      %ne3A = arith.cmpi ne, %sign3A_399, %sign3A_406 : i32
      %rem3A = arith.remsi %add3A_254, %jit3A : i32
      %ne3A_407 = arith.constant 0 : i32
      %ne3A_408 = arith.cmpi ne, %rem3A, %ne3A_407 : i32
      %and3A = arith.andi %ne3A, %ne3A_408 : i1
      %sub3A_409 = arith.constant 1 : i32
      %sub3A_410 = arith.subi %div3A, %sub3A_409 : i32
      %select_n3A = arith.select %and3A, %sub3A_410, %div3A : i32
      %mul3A_411 = arith.constant 128 : i32
      %mul3A_412 = arith.muli %select_n3A, %mul3A_411 : i32
      %multiple_of3A = tpu.assume_multiple %mul3A_412, 128 : i32
      %get3A_413 = arith.index_cast %add3A_254 : i32 to index
      %get3A_414 = memref.load %arg1[%get3A_413] : memref<1024xi32, #tpu.memory_space<smem>>
      %dma_start3A = arith.constant 0 : i32
      %dma_start3A_415 = tpu.memref_slice %arg8[%add3A_254, %dma_start3A] : memref<1024x128xf32, #tpu.memory_space<vmem>> -> memref<1x128xf32, #tpu.memory_space<vmem>>
      %dma_start3A_416 = tpu.memref_slice %arg3[%get3A_414, %multiple_of3A] : memref<100000x1024xf32, #tpu.memory_space<any>> -> memref<1x128xf32, #tpu.memory_space<any>>
      tpu.enqueue_dma source(%dma_start3A_416 : memref<1x128xf32, #tpu.memory_space<any>>) target(%dma_start3A_415 : memref<1x128xf32, #tpu.memory_space<vmem>>) target_semaphore(%arg9 : memref<!tpu.dma_semaphore, #tpu.memory_space<semaphore_mem>>)
    } else {
    }
    %mul3A_260 = arith.constant 41 : i32
    %mul3A_261 = arith.muli %arg0, %mul3A_260 : i32
    %add3A_262 = arith.constant 29 : i32
    %add3A_263 = arith.addi %mul3A_261, %add3A_262 : i32
    %lt3A_264 = arith.constant 1024 : i32
    %lt3A_265 = arith.cmpi slt, %add3A_263, %lt3A_264 : i32
    %convert_element_type3A_266 = arith.extui %lt3A_265 : i1 to i32
    %cond3A_267 = arith.constant 0 : i32
    %cond3A_268 = arith.cmpi ne, %convert_element_type3A_266, %cond3A_267 : i32
    scf.if %cond3A_268 {
      %jit3A = arith.constant 128 : i32
      %div3A = arith.divsi %add3A_263, %jit3A : i32
      %sign3A = arith.constant 0 : i32
      %sign3A_394 = arith.cmpi sgt, %add3A_263, %sign3A : i32
      %sign3A_395 = arith.extui %sign3A_394 : i1 to i32
      %sign3A_396 = arith.constant 0 : i32
      %sign3A_397 = arith.cmpi slt, %add3A_263, %sign3A_396 : i32
      %sign3A_398 = arith.extui %sign3A_397 : i1 to i32
      %sign3A_399 = arith.subi %sign3A_395, %sign3A_398 : i32
      %sign3A_400 = arith.constant 0 : i32
      %sign3A_401 = arith.cmpi sgt, %jit3A, %sign3A_400 : i32
      %sign3A_402 = arith.extui %sign3A_401 : i1 to i32
      %sign3A_403 = arith.constant 0 : i32
      %sign3A_404 = arith.cmpi slt, %jit3A, %sign3A_403 : i32
      %sign3A_405 = arith.extui %sign3A_404 : i1 to i32
      %sign3A_406 = arith.subi %sign3A_402, %sign3A_405 : i32
      %ne3A = arith.cmpi ne, %sign3A_399, %sign3A_406 : i32
      %rem3A = arith.remsi %add3A_263, %jit3A : i32
      %ne3A_407 = arith.constant 0 : i32
      %ne3A_408 = arith.cmpi ne, %rem3A, %ne3A_407 : i32
      %and3A = arith.andi %ne3A, %ne3A_408 : i1
      %sub3A_409 = arith.constant 1 : i32
      %sub3A_410 = arith.subi %div3A, %sub3A_409 : i32
      %select_n3A = arith.select %and3A, %sub3A_410, %div3A : i32
      %mul3A_411 = arith.constant 128 : i32
      %mul3A_412 = arith.muli %select_n3A, %mul3A_411 : i32
      %multiple_of3A = tpu.assume_multiple %mul3A_412, 128 : i32
      %get3A_413 = arith.index_cast %add3A_263 : i32 to index
      %get3A_414 = memref.load %arg1[%get3A_413] : memref<1024xi32, #tpu.memory_space<smem>>
      %dma_start3A = arith.constant 0 : i32
      %dma_start3A_415 = tpu.memref_slice %arg8[%add3A_263, %dma_start3A] : memref<1024x128xf32, #tpu.memory_space<vmem>> -> memref<1x128xf32, #tpu.memory_space<vmem>>
      %dma_start3A_416 = tpu.memref_slice %arg3[%get3A_414, %multiple_of3A] : memref<100000x1024xf32, #tpu.memory_space<any>> -> memref<1x128xf32, #tpu.memory_space<any>>
      tpu.enqueue_dma source(%dma_start3A_416 : memref<1x128xf32, #tpu.memory_space<any>>) target(%dma_start3A_415 : memref<1x128xf32, #tpu.memory_space<vmem>>) target_semaphore(%arg9 : memref<!tpu.dma_semaphore, #tpu.memory_space<semaphore_mem>>)
    } else {
    }
    %mul3A_269 = arith.constant 41 : i32
    %mul3A_270 = arith.muli %arg0, %mul3A_269 : i32
    %add3A_271 = arith.constant 30 : i32
    %add3A_272 = arith.addi %mul3A_270, %add3A_271 : i32
    %lt3A_273 = arith.constant 1024 : i32
    %lt3A_274 = arith.cmpi slt, %add3A_272, %lt3A_273 : i32
    %convert_element_type3A_275 = arith.extui %lt3A_274 : i1 to i32
    %cond3A_276 = arith.constant 0 : i32
    %cond3A_277 = arith.cmpi ne, %convert_element_type3A_275, %cond3A_276 : i32
    scf.if %cond3A_277 {
      %jit3A = arith.constant 128 : i32
      %div3A = arith.divsi %add3A_272, %jit3A : i32
      %sign3A = arith.constant 0 : i32
      %sign3A_394 = arith.cmpi sgt, %add3A_272, %sign3A : i32
      %sign3A_395 = arith.extui %sign3A_394 : i1 to i32
      %sign3A_396 = arith.constant 0 : i32
      %sign3A_397 = arith.cmpi slt, %add3A_272, %sign3A_396 : i32
      %sign3A_398 = arith.extui %sign3A_397 : i1 to i32
      %sign3A_399 = arith.subi %sign3A_395, %sign3A_398 : i32
      %sign3A_400 = arith.constant 0 : i32
      %sign3A_401 = arith.cmpi sgt, %jit3A, %sign3A_400 : i32
      %sign3A_402 = arith.extui %sign3A_401 : i1 to i32
      %sign3A_403 = arith.constant 0 : i32
      %sign3A_404 = arith.cmpi slt, %jit3A, %sign3A_403 : i32
      %sign3A_405 = arith.extui %sign3A_404 : i1 to i32
      %sign3A_406 = arith.subi %sign3A_402, %sign3A_405 : i32
      %ne3A = arith.cmpi ne, %sign3A_399, %sign3A_406 : i32
      %rem3A = arith.remsi %add3A_272, %jit3A : i32
      %ne3A_407 = arith.constant 0 : i32
      %ne3A_408 = arith.cmpi ne, %rem3A, %ne3A_407 : i32
      %and3A = arith.andi %ne3A, %ne3A_408 : i1
      %sub3A_409 = arith.constant 1 : i32
      %sub3A_410 = arith.subi %div3A, %sub3A_409 : i32
      %select_n3A = arith.select %and3A, %sub3A_410, %div3A : i32
      %mul3A_411 = arith.constant 128 : i32
      %mul3A_412 = arith.muli %select_n3A, %mul3A_411 : i32
      %multiple_of3A = tpu.assume_multiple %mul3A_412, 128 : i32
      %get3A_413 = arith.index_cast %add3A_272 : i32 to index
      %get3A_414 = memref.load %arg1[%get3A_413] : memref<1024xi32, #tpu.memory_space<smem>>
      %dma_start3A = arith.constant 0 : i32
      %dma_start3A_415 = tpu.memref_slice %arg8[%add3A_272, %dma_start3A] : memref<1024x128xf32, #tpu.memory_space<vmem>> -> memref<1x128xf32, #tpu.memory_space<vmem>>
      %dma_start3A_416 = tpu.memref_slice %arg3[%get3A_414, %multiple_of3A] : memref<100000x1024xf32, #tpu.memory_space<any>> -> memref<1x128xf32, #tpu.memory_space<any>>
      tpu.enqueue_dma source(%dma_start3A_416 : memref<1x128xf32, #tpu.memory_space<any>>) target(%dma_start3A_415 : memref<1x128xf32, #tpu.memory_space<vmem>>) target_semaphore(%arg9 : memref<!tpu.dma_semaphore, #tpu.memory_space<semaphore_mem>>)
    } else {
    }
    %mul3A_278 = arith.constant 41 : i32
    %mul3A_279 = arith.muli %arg0, %mul3A_278 : i32
    %add3A_280 = arith.constant 31 : i32
    %add3A_281 = arith.addi %mul3A_279, %add3A_280 : i32
    %lt3A_282 = arith.constant 1024 : i32
    %lt3A_283 = arith.cmpi slt, %add3A_281, %lt3A_282 : i32
    %convert_element_type3A_284 = arith.extui %lt3A_283 : i1 to i32
    %cond3A_285 = arith.constant 0 : i32
    %cond3A_286 = arith.cmpi ne, %convert_element_type3A_284, %cond3A_285 : i32
    scf.if %cond3A_286 {
      %jit3A = arith.constant 128 : i32
      %div3A = arith.divsi %add3A_281, %jit3A : i32
      %sign3A = arith.constant 0 : i32
      %sign3A_394 = arith.cmpi sgt, %add3A_281, %sign3A : i32
      %sign3A_395 = arith.extui %sign3A_394 : i1 to i32
      %sign3A_396 = arith.constant 0 : i32
      %sign3A_397 = arith.cmpi slt, %add3A_281, %sign3A_396 : i32
      %sign3A_398 = arith.extui %sign3A_397 : i1 to i32
      %sign3A_399 = arith.subi %sign3A_395, %sign3A_398 : i32
      %sign3A_400 = arith.constant 0 : i32
      %sign3A_401 = arith.cmpi sgt, %jit3A, %sign3A_400 : i32
      %sign3A_402 = arith.extui %sign3A_401 : i1 to i32
      %sign3A_403 = arith.constant 0 : i32
      %sign3A_404 = arith.cmpi slt, %jit3A, %sign3A_403 : i32
      %sign3A_405 = arith.extui %sign3A_404 : i1 to i32
      %sign3A_406 = arith.subi %sign3A_402, %sign3A_405 : i32
      %ne3A = arith.cmpi ne, %sign3A_399, %sign3A_406 : i32
      %rem3A = arith.remsi %add3A_281, %jit3A : i32
      %ne3A_407 = arith.constant 0 : i32
      %ne3A_408 = arith.cmpi ne, %rem3A, %ne3A_407 : i32
      %and3A = arith.andi %ne3A, %ne3A_408 : i1
      %sub3A_409 = arith.constant 1 : i32
      %sub3A_410 = arith.subi %div3A, %sub3A_409 : i32
      %select_n3A = arith.select %and3A, %sub3A_410, %div3A : i32
      %mul3A_411 = arith.constant 128 : i32
      %mul3A_412 = arith.muli %select_n3A, %mul3A_411 : i32
      %multiple_of3A = tpu.assume_multiple %mul3A_412, 128 : i32
      %get3A_413 = arith.index_cast %add3A_281 : i32 to index
      %get3A_414 = memref.load %arg1[%get3A_413] : memref<1024xi32, #tpu.memory_space<smem>>
      %dma_start3A = arith.constant 0 : i32
      %dma_start3A_415 = tpu.memref_slice %arg8[%add3A_281, %dma_start3A] : memref<1024x128xf32, #tpu.memory_space<vmem>> -> memref<1x128xf32, #tpu.memory_space<vmem>>
      %dma_start3A_416 = tpu.memref_slice %arg3[%get3A_414, %multiple_of3A] : memref<100000x1024xf32, #tpu.memory_space<any>> -> memref<1x128xf32, #tpu.memory_space<any>>
      tpu.enqueue_dma source(%dma_start3A_416 : memref<1x128xf32, #tpu.memory_space<any>>) target(%dma_start3A_415 : memref<1x128xf32, #tpu.memory_space<vmem>>) target_semaphore(%arg9 : memref<!tpu.dma_semaphore, #tpu.memory_space<semaphore_mem>>)
    } else {
    }
    %mul3A_287 = arith.constant 41 : i32
    %mul3A_288 = arith.muli %arg0, %mul3A_287 : i32
    %add3A_289 = arith.constant 32 : i32
    %add3A_290 = arith.addi %mul3A_288, %add3A_289 : i32
    %lt3A_291 = arith.constant 1024 : i32
    %lt3A_292 = arith.cmpi slt, %add3A_290, %lt3A_291 : i32
    %convert_element_type3A_293 = arith.extui %lt3A_292 : i1 to i32
    %cond3A_294 = arith.constant 0 : i32
    %cond3A_295 = arith.cmpi ne, %convert_element_type3A_293, %cond3A_294 : i32
    scf.if %cond3A_295 {
      %jit3A = arith.constant 128 : i32
      %div3A = arith.divsi %add3A_290, %jit3A : i32
      %sign3A = arith.constant 0 : i32
      %sign3A_394 = arith.cmpi sgt, %add3A_290, %sign3A : i32
      %sign3A_395 = arith.extui %sign3A_394 : i1 to i32
      %sign3A_396 = arith.constant 0 : i32
      %sign3A_397 = arith.cmpi slt, %add3A_290, %sign3A_396 : i32
      %sign3A_398 = arith.extui %sign3A_397 : i1 to i32
      %sign3A_399 = arith.subi %sign3A_395, %sign3A_398 : i32
      %sign3A_400 = arith.constant 0 : i32
      %sign3A_401 = arith.cmpi sgt, %jit3A, %sign3A_400 : i32
      %sign3A_402 = arith.extui %sign3A_401 : i1 to i32
      %sign3A_403 = arith.constant 0 : i32
      %sign3A_404 = arith.cmpi slt, %jit3A, %sign3A_403 : i32
      %sign3A_405 = arith.extui %sign3A_404 : i1 to i32
      %sign3A_406 = arith.subi %sign3A_402, %sign3A_405 : i32
      %ne3A = arith.cmpi ne, %sign3A_399, %sign3A_406 : i32
      %rem3A = arith.remsi %add3A_290, %jit3A : i32
      %ne3A_407 = arith.constant 0 : i32
      %ne3A_408 = arith.cmpi ne, %rem3A, %ne3A_407 : i32
      %and3A = arith.andi %ne3A, %ne3A_408 : i1
      %sub3A_409 = arith.constant 1 : i32
      %sub3A_410 = arith.subi %div3A, %sub3A_409 : i32
      %select_n3A = arith.select %and3A, %sub3A_410, %div3A : i32
      %mul3A_411 = arith.constant 128 : i32
      %mul3A_412 = arith.muli %select_n3A, %mul3A_411 : i32
      %multiple_of3A = tpu.assume_multiple %mul3A_412, 128 : i32
      %get3A_413 = arith.index_cast %add3A_290 : i32 to index
      %get3A_414 = memref.load %arg1[%get3A_413] : memref<1024xi32, #tpu.memory_space<smem>>
      %dma_start3A = arith.constant 0 : i32
      %dma_start3A_415 = tpu.memref_slice %arg8[%add3A_290, %dma_start3A] : memref<1024x128xf32, #tpu.memory_space<vmem>> -> memref<1x128xf32, #tpu.memory_space<vmem>>
      %dma_start3A_416 = tpu.memref_slice %arg3[%get3A_414, %multiple_of3A] : memref<100000x1024xf32, #tpu.memory_space<any>> -> memref<1x128xf32, #tpu.memory_space<any>>
      tpu.enqueue_dma source(%dma_start3A_416 : memref<1x128xf32, #tpu.memory_space<any>>) target(%dma_start3A_415 : memref<1x128xf32, #tpu.memory_space<vmem>>) target_semaphore(%arg9 : memref<!tpu.dma_semaphore, #tpu.memory_space<semaphore_mem>>)
    } else {
    }
    %mul3A_296 = arith.constant 41 : i32
    %mul3A_297 = arith.muli %arg0, %mul3A_296 : i32
    %add3A_298 = arith.constant 33 : i32
    %add3A_299 = arith.addi %mul3A_297, %add3A_298 : i32
    %lt3A_300 = arith.constant 1024 : i32
    %lt3A_301 = arith.cmpi slt, %add3A_299, %lt3A_300 : i32
    %convert_element_type3A_302 = arith.extui %lt3A_301 : i1 to i32
    %cond3A_303 = arith.constant 0 : i32
    %cond3A_304 = arith.cmpi ne, %convert_element_type3A_302, %cond3A_303 : i32
    scf.if %cond3A_304 {
      %jit3A = arith.constant 128 : i32
      %div3A = arith.divsi %add3A_299, %jit3A : i32
      %sign3A = arith.constant 0 : i32
      %sign3A_394 = arith.cmpi sgt, %add3A_299, %sign3A : i32
      %sign3A_395 = arith.extui %sign3A_394 : i1 to i32
      %sign3A_396 = arith.constant 0 : i32
      %sign3A_397 = arith.cmpi slt, %add3A_299, %sign3A_396 : i32
      %sign3A_398 = arith.extui %sign3A_397 : i1 to i32
      %sign3A_399 = arith.subi %sign3A_395, %sign3A_398 : i32
      %sign3A_400 = arith.constant 0 : i32
      %sign3A_401 = arith.cmpi sgt, %jit3A, %sign3A_400 : i32
      %sign3A_402 = arith.extui %sign3A_401 : i1 to i32
      %sign3A_403 = arith.constant 0 : i32
      %sign3A_404 = arith.cmpi slt, %jit3A, %sign3A_403 : i32
      %sign3A_405 = arith.extui %sign3A_404 : i1 to i32
      %sign3A_406 = arith.subi %sign3A_402, %sign3A_405 : i32
      %ne3A = arith.cmpi ne, %sign3A_399, %sign3A_406 : i32
      %rem3A = arith.remsi %add3A_299, %jit3A : i32
      %ne3A_407 = arith.constant 0 : i32
      %ne3A_408 = arith.cmpi ne, %rem3A, %ne3A_407 : i32
      %and3A = arith.andi %ne3A, %ne3A_408 : i1
      %sub3A_409 = arith.constant 1 : i32
      %sub3A_410 = arith.subi %div3A, %sub3A_409 : i32
      %select_n3A = arith.select %and3A, %sub3A_410, %div3A : i32
      %mul3A_411 = arith.constant 128 : i32
      %mul3A_412 = arith.muli %select_n3A, %mul3A_411 : i32
      %multiple_of3A = tpu.assume_multiple %mul3A_412, 128 : i32
      %get3A_413 = arith.index_cast %add3A_299 : i32 to index
      %get3A_414 = memref.load %arg1[%get3A_413] : memref<1024xi32, #tpu.memory_space<smem>>
      %dma_start3A = arith.constant 0 : i32
      %dma_start3A_415 = tpu.memref_slice %arg8[%add3A_299, %dma_start3A] : memref<1024x128xf32, #tpu.memory_space<vmem>> -> memref<1x128xf32, #tpu.memory_space<vmem>>
      %dma_start3A_416 = tpu.memref_slice %arg3[%get3A_414, %multiple_of3A] : memref<100000x1024xf32, #tpu.memory_space<any>> -> memref<1x128xf32, #tpu.memory_space<any>>
      tpu.enqueue_dma source(%dma_start3A_416 : memref<1x128xf32, #tpu.memory_space<any>>) target(%dma_start3A_415 : memref<1x128xf32, #tpu.memory_space<vmem>>) target_semaphore(%arg9 : memref<!tpu.dma_semaphore, #tpu.memory_space<semaphore_mem>>)
    } else {
    }
    %mul3A_305 = arith.constant 41 : i32
    %mul3A_306 = arith.muli %arg0, %mul3A_305 : i32
    %add3A_307 = arith.constant 34 : i32
    %add3A_308 = arith.addi %mul3A_306, %add3A_307 : i32
    %lt3A_309 = arith.constant 1024 : i32
    %lt3A_310 = arith.cmpi slt, %add3A_308, %lt3A_309 : i32
    %convert_element_type3A_311 = arith.extui %lt3A_310 : i1 to i32
    %cond3A_312 = arith.constant 0 : i32
    %cond3A_313 = arith.cmpi ne, %convert_element_type3A_311, %cond3A_312 : i32
    scf.if %cond3A_313 {
      %jit3A = arith.constant 128 : i32
      %div3A = arith.divsi %add3A_308, %jit3A : i32
      %sign3A = arith.constant 0 : i32
      %sign3A_394 = arith.cmpi sgt, %add3A_308, %sign3A : i32
      %sign3A_395 = arith.extui %sign3A_394 : i1 to i32
      %sign3A_396 = arith.constant 0 : i32
      %sign3A_397 = arith.cmpi slt, %add3A_308, %sign3A_396 : i32
      %sign3A_398 = arith.extui %sign3A_397 : i1 to i32
      %sign3A_399 = arith.subi %sign3A_395, %sign3A_398 : i32
      %sign3A_400 = arith.constant 0 : i32
      %sign3A_401 = arith.cmpi sgt, %jit3A, %sign3A_400 : i32
      %sign3A_402 = arith.extui %sign3A_401 : i1 to i32
      %sign3A_403 = arith.constant 0 : i32
      %sign3A_404 = arith.cmpi slt, %jit3A, %sign3A_403 : i32
      %sign3A_405 = arith.extui %sign3A_404 : i1 to i32
      %sign3A_406 = arith.subi %sign3A_402, %sign3A_405 : i32
      %ne3A = arith.cmpi ne, %sign3A_399, %sign3A_406 : i32
      %rem3A = arith.remsi %add3A_308, %jit3A : i32
      %ne3A_407 = arith.constant 0 : i32
      %ne3A_408 = arith.cmpi ne, %rem3A, %ne3A_407 : i32
      %and3A = arith.andi %ne3A, %ne3A_408 : i1
      %sub3A_409 = arith.constant 1 : i32
      %sub3A_410 = arith.subi %div3A, %sub3A_409 : i32
      %select_n3A = arith.select %and3A, %sub3A_410, %div3A : i32
      %mul3A_411 = arith.constant 128 : i32
      %mul3A_412 = arith.muli %select_n3A, %mul3A_411 : i32
      %multiple_of3A = tpu.assume_multiple %mul3A_412, 128 : i32
      %get3A_413 = arith.index_cast %add3A_308 : i32 to index
      %get3A_414 = memref.load %arg1[%get3A_413] : memref<1024xi32, #tpu.memory_space<smem>>
      %dma_start3A = arith.constant 0 : i32
      %dma_start3A_415 = tpu.memref_slice %arg8[%add3A_308, %dma_start3A] : memref<1024x128xf32, #tpu.memory_space<vmem>> -> memref<1x128xf32, #tpu.memory_space<vmem>>
      %dma_start3A_416 = tpu.memref_slice %arg3[%get3A_414, %multiple_of3A] : memref<100000x1024xf32, #tpu.memory_space<any>> -> memref<1x128xf32, #tpu.memory_space<any>>
      tpu.enqueue_dma source(%dma_start3A_416 : memref<1x128xf32, #tpu.memory_space<any>>) target(%dma_start3A_415 : memref<1x128xf32, #tpu.memory_space<vmem>>) target_semaphore(%arg9 : memref<!tpu.dma_semaphore, #tpu.memory_space<semaphore_mem>>)
    } else {
    }
    %mul3A_314 = arith.constant 41 : i32
    %mul3A_315 = arith.muli %arg0, %mul3A_314 : i32
    %add3A_316 = arith.constant 35 : i32
    %add3A_317 = arith.addi %mul3A_315, %add3A_316 : i32
    %lt3A_318 = arith.constant 1024 : i32
    %lt3A_319 = arith.cmpi slt, %add3A_317, %lt3A_318 : i32
    %convert_element_type3A_320 = arith.extui %lt3A_319 : i1 to i32
    %cond3A_321 = arith.constant 0 : i32
    %cond3A_322 = arith.cmpi ne, %convert_element_type3A_320, %cond3A_321 : i32
    scf.if %cond3A_322 {
      %jit3A = arith.constant 128 : i32
      %div3A = arith.divsi %add3A_317, %jit3A : i32
      %sign3A = arith.constant 0 : i32
      %sign3A_394 = arith.cmpi sgt, %add3A_317, %sign3A : i32
      %sign3A_395 = arith.extui %sign3A_394 : i1 to i32
      %sign3A_396 = arith.constant 0 : i32
      %sign3A_397 = arith.cmpi slt, %add3A_317, %sign3A_396 : i32
      %sign3A_398 = arith.extui %sign3A_397 : i1 to i32
      %sign3A_399 = arith.subi %sign3A_395, %sign3A_398 : i32
      %sign3A_400 = arith.constant 0 : i32
      %sign3A_401 = arith.cmpi sgt, %jit3A, %sign3A_400 : i32
      %sign3A_402 = arith.extui %sign3A_401 : i1 to i32
      %sign3A_403 = arith.constant 0 : i32
      %sign3A_404 = arith.cmpi slt, %jit3A, %sign3A_403 : i32
      %sign3A_405 = arith.extui %sign3A_404 : i1 to i32
      %sign3A_406 = arith.subi %sign3A_402, %sign3A_405 : i32
      %ne3A = arith.cmpi ne, %sign3A_399, %sign3A_406 : i32
      %rem3A = arith.remsi %add3A_317, %jit3A : i32
      %ne3A_407 = arith.constant 0 : i32
      %ne3A_408 = arith.cmpi ne, %rem3A, %ne3A_407 : i32
      %and3A = arith.andi %ne3A, %ne3A_408 : i1
      %sub3A_409 = arith.constant 1 : i32
      %sub3A_410 = arith.subi %div3A, %sub3A_409 : i32
      %select_n3A = arith.select %and3A, %sub3A_410, %div3A : i32
      %mul3A_411 = arith.constant 128 : i32
      %mul3A_412 = arith.muli %select_n3A, %mul3A_411 : i32
      %multiple_of3A = tpu.assume_multiple %mul3A_412, 128 : i32
      %get3A_413 = arith.index_cast %add3A_317 : i32 to index
      %get3A_414 = memref.load %arg1[%get3A_413] : memref<1024xi32, #tpu.memory_space<smem>>
      %dma_start3A = arith.constant 0 : i32
      %dma_start3A_415 = tpu.memref_slice %arg8[%add3A_317, %dma_start3A] : memref<1024x128xf32, #tpu.memory_space<vmem>> -> memref<1x128xf32, #tpu.memory_space<vmem>>
      %dma_start3A_416 = tpu.memref_slice %arg3[%get3A_414, %multiple_of3A] : memref<100000x1024xf32, #tpu.memory_space<any>> -> memref<1x128xf32, #tpu.memory_space<any>>
      tpu.enqueue_dma source(%dma_start3A_416 : memref<1x128xf32, #tpu.memory_space<any>>) target(%dma_start3A_415 : memref<1x128xf32, #tpu.memory_space<vmem>>) target_semaphore(%arg9 : memref<!tpu.dma_semaphore, #tpu.memory_space<semaphore_mem>>)
    } else {
    }
    %mul3A_323 = arith.constant 41 : i32
    %mul3A_324 = arith.muli %arg0, %mul3A_323 : i32
    %add3A_325 = arith.constant 36 : i32
    %add3A_326 = arith.addi %mul3A_324, %add3A_325 : i32
    %lt3A_327 = arith.constant 1024 : i32
    %lt3A_328 = arith.cmpi slt, %add3A_326, %lt3A_327 : i32
    %convert_element_type3A_329 = arith.extui %lt3A_328 : i1 to i32
    %cond3A_330 = arith.constant 0 : i32
    %cond3A_331 = arith.cmpi ne, %convert_element_type3A_329, %cond3A_330 : i32
    scf.if %cond3A_331 {
      %jit3A = arith.constant 128 : i32
      %div3A = arith.divsi %add3A_326, %jit3A : i32
      %sign3A = arith.constant 0 : i32
      %sign3A_394 = arith.cmpi sgt, %add3A_326, %sign3A : i32
      %sign3A_395 = arith.extui %sign3A_394 : i1 to i32
      %sign3A_396 = arith.constant 0 : i32
      %sign3A_397 = arith.cmpi slt, %add3A_326, %sign3A_396 : i32
      %sign3A_398 = arith.extui %sign3A_397 : i1 to i32
      %sign3A_399 = arith.subi %sign3A_395, %sign3A_398 : i32
      %sign3A_400 = arith.constant 0 : i32
      %sign3A_401 = arith.cmpi sgt, %jit3A, %sign3A_400 : i32
      %sign3A_402 = arith.extui %sign3A_401 : i1 to i32
      %sign3A_403 = arith.constant 0 : i32
      %sign3A_404 = arith.cmpi slt, %jit3A, %sign3A_403 : i32
      %sign3A_405 = arith.extui %sign3A_404 : i1 to i32
      %sign3A_406 = arith.subi %sign3A_402, %sign3A_405 : i32
      %ne3A = arith.cmpi ne, %sign3A_399, %sign3A_406 : i32
      %rem3A = arith.remsi %add3A_326, %jit3A : i32
      %ne3A_407 = arith.constant 0 : i32
      %ne3A_408 = arith.cmpi ne, %rem3A, %ne3A_407 : i32
      %and3A = arith.andi %ne3A, %ne3A_408 : i1
      %sub3A_409 = arith.constant 1 : i32
      %sub3A_410 = arith.subi %div3A, %sub3A_409 : i32
      %select_n3A = arith.select %and3A, %sub3A_410, %div3A : i32
      %mul3A_411 = arith.constant 128 : i32
      %mul3A_412 = arith.muli %select_n3A, %mul3A_411 : i32
      %multiple_of3A = tpu.assume_multiple %mul3A_412, 128 : i32
      %get3A_413 = arith.index_cast %add3A_326 : i32 to index
      %get3A_414 = memref.load %arg1[%get3A_413] : memref<1024xi32, #tpu.memory_space<smem>>
      %dma_start3A = arith.constant 0 : i32
      %dma_start3A_415 = tpu.memref_slice %arg8[%add3A_326, %dma_start3A] : memref<1024x128xf32, #tpu.memory_space<vmem>> -> memref<1x128xf32, #tpu.memory_space<vmem>>
      %dma_start3A_416 = tpu.memref_slice %arg3[%get3A_414, %multiple_of3A] : memref<100000x1024xf32, #tpu.memory_space<any>> -> memref<1x128xf32, #tpu.memory_space<any>>
      tpu.enqueue_dma source(%dma_start3A_416 : memref<1x128xf32, #tpu.memory_space<any>>) target(%dma_start3A_415 : memref<1x128xf32, #tpu.memory_space<vmem>>) target_semaphore(%arg9 : memref<!tpu.dma_semaphore, #tpu.memory_space<semaphore_mem>>)
    } else {
    }
    %mul3A_332 = arith.constant 41 : i32
    %mul3A_333 = arith.muli %arg0, %mul3A_332 : i32
    %add3A_334 = arith.constant 37 : i32
    %add3A_335 = arith.addi %mul3A_333, %add3A_334 : i32
    %lt3A_336 = arith.constant 1024 : i32
    %lt3A_337 = arith.cmpi slt, %add3A_335, %lt3A_336 : i32
    %convert_element_type3A_338 = arith.extui %lt3A_337 : i1 to i32
    %cond3A_339 = arith.constant 0 : i32
    %cond3A_340 = arith.cmpi ne, %convert_element_type3A_338, %cond3A_339 : i32
    scf.if %cond3A_340 {
      %jit3A = arith.constant 128 : i32
      %div3A = arith.divsi %add3A_335, %jit3A : i32
      %sign3A = arith.constant 0 : i32
      %sign3A_394 = arith.cmpi sgt, %add3A_335, %sign3A : i32
      %sign3A_395 = arith.extui %sign3A_394 : i1 to i32
      %sign3A_396 = arith.constant 0 : i32
      %sign3A_397 = arith.cmpi slt, %add3A_335, %sign3A_396 : i32
      %sign3A_398 = arith.extui %sign3A_397 : i1 to i32
      %sign3A_399 = arith.subi %sign3A_395, %sign3A_398 : i32
      %sign3A_400 = arith.constant 0 : i32
      %sign3A_401 = arith.cmpi sgt, %jit3A, %sign3A_400 : i32
      %sign3A_402 = arith.extui %sign3A_401 : i1 to i32
      %sign3A_403 = arith.constant 0 : i32
      %sign3A_404 = arith.cmpi slt, %jit3A, %sign3A_403 : i32
      %sign3A_405 = arith.extui %sign3A_404 : i1 to i32
      %sign3A_406 = arith.subi %sign3A_402, %sign3A_405 : i32
      %ne3A = arith.cmpi ne, %sign3A_399, %sign3A_406 : i32
      %rem3A = arith.remsi %add3A_335, %jit3A : i32
      %ne3A_407 = arith.constant 0 : i32
      %ne3A_408 = arith.cmpi ne, %rem3A, %ne3A_407 : i32
      %and3A = arith.andi %ne3A, %ne3A_408 : i1
      %sub3A_409 = arith.constant 1 : i32
      %sub3A_410 = arith.subi %div3A, %sub3A_409 : i32
      %select_n3A = arith.select %and3A, %sub3A_410, %div3A : i32
      %mul3A_411 = arith.constant 128 : i32
      %mul3A_412 = arith.muli %select_n3A, %mul3A_411 : i32
      %multiple_of3A = tpu.assume_multiple %mul3A_412, 128 : i32
      %get3A_413 = arith.index_cast %add3A_335 : i32 to index
      %get3A_414 = memref.load %arg1[%get3A_413] : memref<1024xi32, #tpu.memory_space<smem>>
      %dma_start3A = arith.constant 0 : i32
      %dma_start3A_415 = tpu.memref_slice %arg8[%add3A_335, %dma_start3A] : memref<1024x128xf32, #tpu.memory_space<vmem>> -> memref<1x128xf32, #tpu.memory_space<vmem>>
      %dma_start3A_416 = tpu.memref_slice %arg3[%get3A_414, %multiple_of3A] : memref<100000x1024xf32, #tpu.memory_space<any>> -> memref<1x128xf32, #tpu.memory_space<any>>
      tpu.enqueue_dma source(%dma_start3A_416 : memref<1x128xf32, #tpu.memory_space<any>>) target(%dma_start3A_415 : memref<1x128xf32, #tpu.memory_space<vmem>>) target_semaphore(%arg9 : memref<!tpu.dma_semaphore, #tpu.memory_space<semaphore_mem>>)
    } else {
    }
    %mul3A_341 = arith.constant 41 : i32
    %mul3A_342 = arith.muli %arg0, %mul3A_341 : i32
    %add3A_343 = arith.constant 38 : i32
    %add3A_344 = arith.addi %mul3A_342, %add3A_343 : i32
    %lt3A_345 = arith.constant 1024 : i32
    %lt3A_346 = arith.cmpi slt, %add3A_344, %lt3A_345 : i32
    %convert_element_type3A_347 = arith.extui %lt3A_346 : i1 to i32
    %cond3A_348 = arith.constant 0 : i32
    %cond3A_349 = arith.cmpi ne, %convert_element_type3A_347, %cond3A_348 : i32
    scf.if %cond3A_349 {
      %jit3A = arith.constant 128 : i32
      %div3A = arith.divsi %add3A_344, %jit3A : i32
      %sign3A = arith.constant 0 : i32
      %sign3A_394 = arith.cmpi sgt, %add3A_344, %sign3A : i32
      %sign3A_395 = arith.extui %sign3A_394 : i1 to i32
      %sign3A_396 = arith.constant 0 : i32
      %sign3A_397 = arith.cmpi slt, %add3A_344, %sign3A_396 : i32
      %sign3A_398 = arith.extui %sign3A_397 : i1 to i32
      %sign3A_399 = arith.subi %sign3A_395, %sign3A_398 : i32
      %sign3A_400 = arith.constant 0 : i32
      %sign3A_401 = arith.cmpi sgt, %jit3A, %sign3A_400 : i32
      %sign3A_402 = arith.extui %sign3A_401 : i1 to i32
      %sign3A_403 = arith.constant 0 : i32
      %sign3A_404 = arith.cmpi slt, %jit3A, %sign3A_403 : i32
      %sign3A_405 = arith.extui %sign3A_404 : i1 to i32
      %sign3A_406 = arith.subi %sign3A_402, %sign3A_405 : i32
      %ne3A = arith.cmpi ne, %sign3A_399, %sign3A_406 : i32
      %rem3A = arith.remsi %add3A_344, %jit3A : i32
      %ne3A_407 = arith.constant 0 : i32
      %ne3A_408 = arith.cmpi ne, %rem3A, %ne3A_407 : i32
      %and3A = arith.andi %ne3A, %ne3A_408 : i1
      %sub3A_409 = arith.constant 1 : i32
      %sub3A_410 = arith.subi %div3A, %sub3A_409 : i32
      %select_n3A = arith.select %and3A, %sub3A_410, %div3A : i32
      %mul3A_411 = arith.constant 128 : i32
      %mul3A_412 = arith.muli %select_n3A, %mul3A_411 : i32
      %multiple_of3A = tpu.assume_multiple %mul3A_412, 128 : i32
      %get3A_413 = arith.index_cast %add3A_344 : i32 to index
      %get3A_414 = memref.load %arg1[%get3A_413] : memref<1024xi32, #tpu.memory_space<smem>>
      %dma_start3A = arith.constant 0 : i32
      %dma_start3A_415 = tpu.memref_slice %arg8[%add3A_344, %dma_start3A] : memref<1024x128xf32, #tpu.memory_space<vmem>> -> memref<1x128xf32, #tpu.memory_space<vmem>>
      %dma_start3A_416 = tpu.memref_slice %arg3[%get3A_414, %multiple_of3A] : memref<100000x1024xf32, #tpu.memory_space<any>> -> memref<1x128xf32, #tpu.memory_space<any>>
      tpu.enqueue_dma source(%dma_start3A_416 : memref<1x128xf32, #tpu.memory_space<any>>) target(%dma_start3A_415 : memref<1x128xf32, #tpu.memory_space<vmem>>) target_semaphore(%arg9 : memref<!tpu.dma_semaphore, #tpu.memory_space<semaphore_mem>>)
    } else {
    }
    %mul3A_350 = arith.constant 41 : i32
    %mul3A_351 = arith.muli %arg0, %mul3A_350 : i32
    %add3A_352 = arith.constant 39 : i32
    %add3A_353 = arith.addi %mul3A_351, %add3A_352 : i32
    %lt3A_354 = arith.constant 1024 : i32
    %lt3A_355 = arith.cmpi slt, %add3A_353, %lt3A_354 : i32
    %convert_element_type3A_356 = arith.extui %lt3A_355 : i1 to i32
    %cond3A_357 = arith.constant 0 : i32
    %cond3A_358 = arith.cmpi ne, %convert_element_type3A_356, %cond3A_357 : i32
    scf.if %cond3A_358 {
      %jit3A = arith.constant 128 : i32
      %div3A = arith.divsi %add3A_353, %jit3A : i32
      %sign3A = arith.constant 0 : i32
      %sign3A_394 = arith.cmpi sgt, %add3A_353, %sign3A : i32
      %sign3A_395 = arith.extui %sign3A_394 : i1 to i32
      %sign3A_396 = arith.constant 0 : i32
      %sign3A_397 = arith.cmpi slt, %add3A_353, %sign3A_396 : i32
      %sign3A_398 = arith.extui %sign3A_397 : i1 to i32
      %sign3A_399 = arith.subi %sign3A_395, %sign3A_398 : i32
      %sign3A_400 = arith.constant 0 : i32
      %sign3A_401 = arith.cmpi sgt, %jit3A, %sign3A_400 : i32
      %sign3A_402 = arith.extui %sign3A_401 : i1 to i32
      %sign3A_403 = arith.constant 0 : i32
      %sign3A_404 = arith.cmpi slt, %jit3A, %sign3A_403 : i32
      %sign3A_405 = arith.extui %sign3A_404 : i1 to i32
      %sign3A_406 = arith.subi %sign3A_402, %sign3A_405 : i32
      %ne3A = arith.cmpi ne, %sign3A_399, %sign3A_406 : i32
      %rem3A = arith.remsi %add3A_353, %jit3A : i32
      %ne3A_407 = arith.constant 0 : i32
      %ne3A_408 = arith.cmpi ne, %rem3A, %ne3A_407 : i32
      %and3A = arith.andi %ne3A, %ne3A_408 : i1
      %sub3A_409 = arith.constant 1 : i32
      %sub3A_410 = arith.subi %div3A, %sub3A_409 : i32
      %select_n3A = arith.select %and3A, %sub3A_410, %div3A : i32
      %mul3A_411 = arith.constant 128 : i32
      %mul3A_412 = arith.muli %select_n3A, %mul3A_411 : i32
      %multiple_of3A = tpu.assume_multiple %mul3A_412, 128 : i32
      %get3A_413 = arith.index_cast %add3A_353 : i32 to index
      %get3A_414 = memref.load %arg1[%get3A_413] : memref<1024xi32, #tpu.memory_space<smem>>
      %dma_start3A = arith.constant 0 : i32
      %dma_start3A_415 = tpu.memref_slice %arg8[%add3A_353, %dma_start3A] : memref<1024x128xf32, #tpu.memory_space<vmem>> -> memref<1x128xf32, #tpu.memory_space<vmem>>
      %dma_start3A_416 = tpu.memref_slice %arg3[%get3A_414, %multiple_of3A] : memref<100000x1024xf32, #tpu.memory_space<any>> -> memref<1x128xf32, #tpu.memory_space<any>>
      tpu.enqueue_dma source(%dma_start3A_416 : memref<1x128xf32, #tpu.memory_space<any>>) target(%dma_start3A_415 : memref<1x128xf32, #tpu.memory_space<vmem>>) target_semaphore(%arg9 : memref<!tpu.dma_semaphore, #tpu.memory_space<semaphore_mem>>)
    } else {
    }
    %mul3A_359 = arith.constant 41 : i32
    %mul3A_360 = arith.muli %arg0, %mul3A_359 : i32
    %add3A_361 = arith.constant 40 : i32
    %add3A_362 = arith.addi %mul3A_360, %add3A_361 : i32
    %lt3A_363 = arith.constant 1024 : i32
    %lt3A_364 = arith.cmpi slt, %add3A_362, %lt3A_363 : i32
    %convert_element_type3A_365 = arith.extui %lt3A_364 : i1 to i32
    %cond3A_366 = arith.constant 0 : i32
    %cond3A_367 = arith.cmpi ne, %convert_element_type3A_365, %cond3A_366 : i32
    scf.if %cond3A_367 {
      %jit3A = arith.constant 128 : i32
      %div3A = arith.divsi %add3A_362, %jit3A : i32
      %sign3A = arith.constant 0 : i32
      %sign3A_394 = arith.cmpi sgt, %add3A_362, %sign3A : i32
      %sign3A_395 = arith.extui %sign3A_394 : i1 to i32
      %sign3A_396 = arith.constant 0 : i32
      %sign3A_397 = arith.cmpi slt, %add3A_362, %sign3A_396 : i32
      %sign3A_398 = arith.extui %sign3A_397 : i1 to i32
      %sign3A_399 = arith.subi %sign3A_395, %sign3A_398 : i32
      %sign3A_400 = arith.constant 0 : i32
      %sign3A_401 = arith.cmpi sgt, %jit3A, %sign3A_400 : i32
      %sign3A_402 = arith.extui %sign3A_401 : i1 to i32
      %sign3A_403 = arith.constant 0 : i32
      %sign3A_404 = arith.cmpi slt, %jit3A, %sign3A_403 : i32
      %sign3A_405 = arith.extui %sign3A_404 : i1 to i32
      %sign3A_406 = arith.subi %sign3A_402, %sign3A_405 : i32
      %ne3A = arith.cmpi ne, %sign3A_399, %sign3A_406 : i32
      %rem3A = arith.remsi %add3A_362, %jit3A : i32
      %ne3A_407 = arith.constant 0 : i32
      %ne3A_408 = arith.cmpi ne, %rem3A, %ne3A_407 : i32
      %and3A = arith.andi %ne3A, %ne3A_408 : i1
      %sub3A_409 = arith.constant 1 : i32
      %sub3A_410 = arith.subi %div3A, %sub3A_409 : i32
      %select_n3A = arith.select %and3A, %sub3A_410, %div3A : i32
      %mul3A_411 = arith.constant 128 : i32
      %mul3A_412 = arith.muli %select_n3A, %mul3A_411 : i32
      %multiple_of3A = tpu.assume_multiple %mul3A_412, 128 : i32
      %get3A_413 = arith.index_cast %add3A_362 : i32 to index
      %get3A_414 = memref.load %arg1[%get3A_413] : memref<1024xi32, #tpu.memory_space<smem>>
      %dma_start3A = arith.constant 0 : i32
      %dma_start3A_415 = tpu.memref_slice %arg8[%add3A_362, %dma_start3A] : memref<1024x128xf32, #tpu.memory_space<vmem>> -> memref<1x128xf32, #tpu.memory_space<vmem>>
      %dma_start3A_416 = tpu.memref_slice %arg3[%get3A_414, %multiple_of3A] : memref<100000x1024xf32, #tpu.memory_space<any>> -> memref<1x128xf32, #tpu.memory_space<any>>
      tpu.enqueue_dma source(%dma_start3A_416 : memref<1x128xf32, #tpu.memory_space<any>>) target(%dma_start3A_415 : memref<1x128xf32, #tpu.memory_space<vmem>>) target_semaphore(%arg9 : memref<!tpu.dma_semaphore, #tpu.memory_space<semaphore_mem>>)
    } else {
    }
    %get3A = arith.constant 0 : index
    %get3A_368 = arith.constant 0 : index
    %get3A_369 = vector.load %arg2[%get3A, %get3A_368] : memref<4000x1024xf32, #tpu.memory_space<vmem>>, vector<4000x1024xf32>
    %reduce_max3A = arith.constant dense<0xFF800000> : vector<1024xf32>
    %reduce_max3A_370 = vector.multi_reduction <maximumf>, %get3A_369, %reduce_max3A [0] : vector<4000x1024xf32> to vector<1024xf32>
    %broadcast_in_dim3A = vector.shape_cast %reduce_max3A_370 : vector<1024xf32> to vector<1x1024xf32>
    %get3A_371 = arith.constant 0 : index
    %get3A_372 = arith.constant 0 : index
    %get3A_373 = vector.load %arg6[%get3A_371, %get3A_372] : memref<1x1024xf32, #tpu.memory_space<vmem>>, vector<1x1024xf32>
    %max3A = arith.maximumf %get3A_373, %broadcast_in_dim3A : vector<1x1024xf32>
    %sub3A = vector.broadcast %max3A : vector<1x1024xf32> to vector<4000x1024xf32>
    %sub3A_374 = arith.subf %get3A_369, %sub3A : vector<4000x1024xf32>
    %exp3A = math.exp %sub3A_374 : vector<4000x1024xf32>
    %reduce_sum3A = arith.constant dense<0.000000e+00> : vector<1024xf32>
    %reduce_sum3A_375 = vector.multi_reduction <add>, %exp3A, %reduce_sum3A [0] : vector<4000x1024xf32> to vector<1024xf32>
    %broadcast_in_dim3A_376 = vector.shape_cast %reduce_sum3A_375 : vector<1024xf32> to vector<1x1024xf32>
    %get3A_377 = arith.constant 0 : index
    %get3A_378 = arith.constant 0 : index
    %get3A_379 = vector.load %arg7[%get3A_377, %get3A_378] : memref<1x1024xf32, #tpu.memory_space<vmem>>, vector<1x1024xf32>
    %sub3A_380 = arith.subf %get3A_373, %max3A : vector<1x1024xf32>
    %exp3A_381 = math.exp %sub3A_380 : vector<1x1024xf32>
    %mul3A_382 = arith.mulf %get3A_379, %exp3A_381 : vector<1x1024xf32>
    %add3A_383 = arith.addf %mul3A_382, %broadcast_in_dim3A_376 : vector<1x1024xf32>
    %swap3A = arith.constant 0 : index
    %swap3A_384 = arith.constant 0 : index
    %swap3A_385 = vector.load %arg7[%swap3A, %swap3A_384] : memref<1x1024xf32, #tpu.memory_space<vmem>>, vector<1x1024xf32>
    tpu.vector_store %arg7[%swap3A, %swap3A_384], %add3A_383 {strides = array<i32>} : memref<1x1024xf32, #tpu.memory_space<vmem>>, vector<1x1024xf32>,
    %swap3A_386 = arith.constant 0 : index
    %swap3A_387 = arith.constant 0 : index
    %swap3A_388 = vector.load %arg6[%swap3A_386, %swap3A_387] : memref<1x1024xf32, #tpu.memory_space<vmem>>, vector<1x1024xf32>
    tpu.vector_store %arg6[%swap3A_386, %swap3A_387], %max3A {strides = array<i32>} : memref<1x1024xf32, #tpu.memory_space<vmem>>, vector<1x1024xf32>,
    %eq3A_389 = arith.constant 24 : i32
    %eq3A_390 = arith.cmpi eq, %arg0, %eq3A_389 : i32
    %convert_element_type3A_391 = arith.extui %eq3A_390 : i1 to i32
    %cond3A_392 = arith.constant 0 : i32
    %cond3A_393 = arith.cmpi ne, %convert_element_type3A_391, %cond3A_392 : i32
    scf.if %cond3A_393 {
      %log3A = math.log %add3A_383 : vector<1x1024xf32>
      %add3A_394 = arith.addf %max3A, %log3A : vector<1x1024xf32>
      %swap3A_395 = arith.constant 0 : index
      %swap3A_396 = arith.constant 0 : index
      %swap3A_397 = vector.load %arg4[%swap3A_395, %swap3A_396] : memref<1x1024xf32, #tpu.memory_space<vmem>>, vector<1x1024xf32>
      tpu.vector_store %arg4[%swap3A_395, %swap3A_396], %add3A_394 {strides = array<i32>} : memref<1x1024xf32, #tpu.memory_space<vmem>>, vector<1x1024xf32>,
      %dma_wait3A = arith.constant 0 : i32
      %dma_wait3A_398 = arith.constant 0 : i32
      %dma_wait3A_399 = tpu.memref_slice %arg3[%dma_wait3A, %dma_wait3A_398] : memref<100000x1024xf32, #tpu.memory_space<any>> -> memref<1024x128xf32, #tpu.memory_space<any>>
      tpu.wait_dma2 semaphore(%arg9 : memref<!tpu.dma_semaphore, #tpu.memory_space<semaphore_mem>>) src(%dma_wait3A_399 : memref<1024x128xf32, #tpu.memory_space<any>>) dst(%arg8 : memref<1024x128xf32, #tpu.memory_space<vmem>>)
      %iota3A = tpu.iota {dimensions = array<i32: 0>} : vector<1024x128xi32>
      %iota3A_400 = tpu.iota {dimensions = array<i32: 1>} : vector<1024x128xi32>
      %rem3A = arith.constant 128 : i32
      %rem3A_401 = vector.broadcast %rem3A : i32 to vector<1024x128xi32>
      %rem3A_402 = arith.remsi %iota3A, %rem3A_401 : vector<1024x128xi32>
      %eq3A_403 = arith.cmpi eq, %iota3A_400, %rem3A_402 : vector<1024x128xi32>
      %get3A_404 = arith.constant 0 : index
      %get3A_405 = arith.constant 0 : index
      %get3A_406 = vector.load %arg8[%get3A_404, %get3A_405] : memref<1024x128xf32, #tpu.memory_space<vmem>>, vector<1024x128xf32>
      %jit3A = arith.constant 0.000000e+00 : f32
      %broadcast_in_dim3A_407 = vector.broadcast %jit3A : f32 to vector<1024x128xf32>
      %select_n3A = arith.select %eq3A_403, %get3A_406, %broadcast_in_dim3A_407 : vector<1024x128xi1>, vector<1024x128xf32>
      %reduce_sum3A_408 = arith.constant dense<0.000000e+00> : vector<1024xf32>
      %reduce_sum3A_409 = vector.multi_reduction <add>, %select_n3A, %reduce_sum3A_408 [1] : vector<1024x128xf32> to vector<1024xf32>
      %broadcast_in_dim3A_410 = vector.shape_cast %reduce_sum3A_409 : vector<1024xf32> to vector<1024x1xf32>
      %swap3A_411 = arith.constant 0 : index
      %swap3A_412 = arith.constant 0 : index
      %swap3A_413 = vector.load %arg5[%swap3A_411, %swap3A_412] : memref<1024x1xf32, #tpu.memory_space<vmem>>, vector<1024x1xf32>
      tpu.vector_store %arg5[%swap3A_411, %swap3A_412], %broadcast_in_dim3A_410 {strides = array<i32>} : memref<1024x1xf32, #tpu.memory_space<vmem>>, vector<1024x1xf32>,
    } else {
    }
    return
  }
  func.func @transform_0(%arg0: i32, %arg1: memref<1024xi32, #tpu.memory_space<smem>>) -> (i32, i32) {
    %c0_i32 = arith.constant 0 : i32
    %c0_i32_0 = arith.constant 0 : i32
    return %arg0, %c0_i32 : i32, i32
  }
  func.func @transform_2(%arg0: i32, %arg1: memref<1024xi32, #tpu.memory_space<smem>>) -> (i32, i32) {
    %c0_i32 = arith.constant 0 : i32
    %c0_i32_0 = arith.constant 0 : i32
    %c0_i32_1 = arith.constant 0 : i32
    return %c0_i32, %c0_i32_0 : i32, i32
  }
  func.func @transform_3(%arg0: i32, %arg1: memref<1024xi32, #tpu.memory_space<smem>>) -> (i32, i32) {
    %c0_i32 = arith.constant 0 : i32
    %c0_i32_0 = arith.constant 0 : i32
    %c0_i32_1 = arith.constant 0 : i32
    return %c0_i32, %c0_i32_0 : i32, i32
  }
}

</mosaic_0001>

<sc_bundles>
// kernel: kernel.4.cloned.1.call-start
scs
__scs_entry_jumppad:
0x0: {  	(pc) =	sbr.rel $0x88, $3  }
0x1: {  	(tag) =	ssettag $0x0;
	lr =	simm.s32 $0x1  }
0x2: {  	[smem:$0x3F9F] =	sst lr;
	_ =	strace $0xD0000000  }
0x3: {  	_ = 	snop  }
0x4: {  	_ = 	snop  }
0x5: {  	_ = 	snop  }
0x6: {  	_ = 	snop  }
0x7: {  	_ = 	snop  }
__scs_overlays_trampoline_lowered:
0x8: {  	[smem:$0x3FAE] =	sst s0  }
0x9: {  	[smem:$0x3FAF] =	sst s1  }
0xa: {  	[smem:$0x3FB0] =	sst s2  }
0xb: {  	[smem:$0x3FB1] =	sst s3  }
0xc: {  	[smem:$0x3FB2] =	sst s4  }
0xd: {  	[smem:$0x3FB3] =	sst s5  }
0xe: {  	[smem:$0x3FB4] =	sst s6  }
0xf: {  	[smem:$0x3FB5] =	sst s7  }
0x10: {  	[smem:$0x3FB6] =	sst s8  }
0x11: {  	[smem:$0x3FB7] =	sst s9;
	s0 =	simm.s32 @!p0 $0x0  }
0x12: {  	s1 =	sld [smem:$0x3F9D];
	s0 =	simm.s32 @p0 $0x1  }
0x13: {  	[smem:$0x3FB8] =	sst s0;
	s0 =	simm.s32 @!p1 $0x0  }
0x14: {  	s2 =	sld [smem:$0x3F9C];
	s0 =	simm.s32 @p1 $0x1  }
0x15: {  	[smem:$0x3FB9] =	sst s0;
	s0 =	simm.s32 @!p2 $0x0  }
0x16: {  	s3 =	sld [smem:$0x3FDB];
	s0 =	simm.s32 @p2 $0x1  }
0x17: {  	s4 =	simm.s32 $0x1BF5;
	[smem:$0x3FBB] =	sst s0  }
0x18: {  	s0 =	sld [smem:$0x3F9E];
	_ =	swait.ge [sflag:s4], $0x0  }
0x19: {  	s7 =	sld [smem:$0x3F9F]  }
0x1a: {  	s8 =	sadd.s32 $0xFFFFE003, lr  }
0x1b: {  	s9 =	sadd.s32 $0xFFFFFEF7, lr;
	s5 =	simm.s32 $0xFFFFFFFF;
	p2 =	slt.u32 s8, $0xFFFFF086  }
0x1c: {  	p1 =	slt.u32 s9, $0xF7A;
	s5 =	simm.s32 @!p2 $0x0  }
0x1d: {  	s5 =	simm.s32 @p1 $0x1;
	p0 =	seq.s32 s7, s2  }
0x1e: {  	s7 =	smul.u32 @!p0 $0xF7A, s2;
	p2 =	seq.s32 @!p0 s5, $0x0  }
0x1f: {  	s9 =	smul.u32 $0xF7A, s1;
	s8 =	simm.s32 @!p0 $0x1BF5;
	p2 =	por !p2, p0  }
0x20: {  	[sflag:s8] =	ssyncset.s32 @!p0 $0xFFFFF086;
	s6 =	sadd.s32 @!p0 s3, s7;
	s7 =	simm.s32 @!p0 $0x108  }
0x21: {  	s3 =	sadd.s32 s3, s9;
	s6 =	sadd.s32 @!p0 $0x88, s6;
	s7 =	simm.s32 @p2 $0x1082  }
0x22: {  	[simem:s7], [sflag:s8] =	dma.local @!p0 [hbm:s6], $0xF7A  }
0x23: {  	s9 =	sor.u32 $0xD0000000, s2;
	s6 =	simm.s32 $0x108;
	_ =	swait.ge @!p0 [sflag:s8], $0x0  }
0x24: {  	s3 =	sadd.s32 $0x88, s3;
	s6 =	simm.s32 @!p1 $0x1082;
	[sflag:s4] =	ssyncset.s32 $0xFFFFF086  }
0x25: {  	[simem:s6], [sflag:s4] =	dma.local [hbm:s3], $0xF7A  }
0x26: {  	[smem:$0x3F9F] =	sst s1;
	(tag) =	ssettag s2;
	_ =	strace s9  }
0x27: {  	s1 =	sld [smem:$0x3FAF]  }
0x28: {  	s2 =	sld [smem:$0x3FB0]  }
0x29: {  	s4 =	sld [smem:$0x3FB2]  }
0x2a: {  	p0 =	seq.s32 s5, $0x0;
	s5 =	sld [smem:$0x3FB3]  }
0x2b: {  	s6 =	sld [smem:$0x3FB4]  }
0x2c: {  	s7 =	sld [smem:$0x3FB5]  }
0x2d: {  	s3 =	simm.s32 $0x108;
	s8 =	sld [smem:$0x3FB6]  }
0x2e: {  	s3 =	simm.s32 @!p0 $0x1082;
	s9 =	sld [smem:$0x3FB7]  }
0x2f: {  	lr =	sadd.s32 s0, s3;
	s0 =	sld [smem:$0x3FAE]  }
0x30: {  	s3 =	sld [smem:$0x3FB1]  }
0x31: {  	[smem:$0x3FBA] =	sst s10  }
0x32: {  	s10 =	sld [smem:$0x3FB8];
	_ =	sdelay $0x3  }
0x33: {  	p0 =	seq.s32 s10, $0x1;
	s10 =	sld [smem:$0x3FBA];
	_ =	sdelay $0x3  }
0x34: {  	[smem:$0x3FBA] =	sst s10  }
0x35: {  	s10 =	sld [smem:$0x3FB9];
	_ =	sdelay $0x3  }
0x36: {  	p1 =	seq.s32 s10, $0x1;
	s10 =	sld [smem:$0x3FBA];
	_ =	sdelay $0x3  }
0x37: {  	[smem:$0x3FBA] =	sst s10  }
0x38: {  	s10 =	sld [smem:$0x3FBB]  }
0x39: {  	_ = 	snop;
	(pc) =	sbr.ind lr, $3  }
0x3a: {  	_ = 	snop  }
0x3b: {  	_ = 	snop  }
0x3c: {  	p2 =	seq.s32 s10, $0x1;
	s10 =	sld [smem:$0x3FBA]  }
0x3d: {  	_ =	shalt  }
0x3e: {  	_ =	shalt  }
0x3f: {  	_ =	shalt  }
0x40: {  	_ =	shalt  }
0x41: {  	_ =	shalt  }
0x42: {  	_ =	shalt  }
0x43: {  	_ =	shalt  }
0x44: {  	_ =	shalt  }
0x45: {  	_ =	shalt  }
0x46: {  	_ =	shalt  }
0x47: {  	_ =	shalt  }
0x48: {  	_ =	shalt  }
0x49: {  	_ =	shalt  }
0x4a: {  	_ =	shalt  }
0x4b: {  	_ =	shalt  }
0x4c: {  	_ =	shalt  }
0x4d: {  	_ =	shalt  }
0x4e: {  	_ =	shalt  }
0x4f: {  	_ =	shalt  }
0x50: {  	_ =	shalt  }
0x51: {  	_ =	shalt  }
0x52: {  	_ =	shalt  }
0x53: {  	_ =	shalt  }
0x54: {  	_ =	shalt  }
0x55: {  	_ =	shalt  }
0x56: {  	_ =	shalt  }
0x57: {  	_ =	shalt  }
0x58: {  	_ =	shalt  }
0x59: {  	_ =	shalt  }
0x5a: {  	_ =	shalt  }
0x5b: {  	_ =	shalt  }
0x5c: {  	_ =	shalt  }
0x5d: {  	_ =	shalt  }
0x5e: {  	_ =	shalt  }
0x5f: {  	_ =	shalt  }
0x60: {  	_ =	shalt  }
0x61: {  	_ =	shalt  }
0x62: {  	_ =	shalt  }
0x63: {  	_ =	shalt  }
0x64: {  	_ =	shalt  }
0x65: {  	_ =	shalt  }
0x66: {  	_ =	shalt  }
0x67: {  	_ =	shalt  }
0x68: {  	_ =	shalt  }
0x69: {  	_ =	shalt  }
0x6a: {  	_ =	shalt  }
0x6b: {  	_ =	shalt  }
0x6c: {  	_ =	shalt  }
0x6d: {  	_ =	shalt  }
0x6e: {  	_ =	shalt  }
0x6f: {  	_ =	shalt  }
0x70: {  	_ =	shalt  }
0x71: {  	_ =	shalt  }
0x72: {  	_ =	shalt  }
0x73: {  	_ =	shalt  }
0x74: {  	_ =	shalt  }
0x75: {  	_ =	shalt  }
0x76: {  	_ =	shalt  }
0x77: {  	_ =	shalt  }
0x78: {  	_ =	shalt  }
0x79: {  	_ =	shalt  }
0x7a: {  	_ =	shalt  }
0x7b: {  	_ =	shalt  }
0x7c: {  	_ =	shalt  }
0x7d: {  	_ =	shalt  }
0x7e: {  	_ =	shalt  }
0x7f: {  	_ =	shalt  }
0x80: {  	_ =	shalt  }
0x81: {  	_ =	shalt  }
0x82: {  	_ =	shalt  }
0x83: {  	_ =	shalt  }
0x84: {  	_ =	shalt  }
0x85: {  	_ =	shalt  }
0x86: {  	_ =	shalt  }
0x87: {  	_ =	shalt  }
.Lfunc_end0:
.L_simem_size_0:
called_computation_lowered:
.L_overlay_start_0:
0x88: {  	s2 =	sld [smem:$0x3FD9]  }
0x89: {  	s3 =	sld [smem:$0x3FFE];
	_ =	sdelay $0x1  }
0x8a: {  	s1 =	srdreg.scid  }
0x8b: {  	s0 =	sand.u32 $0x1, s1  }
0x8c: {  	s17 =	sshll.u32 s0, $0xA;
	s2 =	sadd.s32 s3, s2  }
0x8d: {  	s2 =	sadd.s32 s2, s17  }
0x8e: {  	[smem:$0x3FC6] =	sst s2  }
0x8f: {  	_ = 	snop  }
0x90: {  	s2 =	sld [smem:$0x3FD0];
	(tm) =	ssettm $0x1  }
0x91: {  	s18 =	sld [smem:$0x3FFB];
	_ =	sdelay $0x3  }
0x92: {  	_ =	strace s18  }
0x93: {  	s3 =	sld [smem:$0x3FFC];
	_ =	sdelay $0x3  }
0x94: {  	_ =	strace s3  }
0x95: {  	s3 =	sld [smem:$0x3FFD];
	_ =	sdelay $0x3  }
0x96: {  	_ =	strace s3  }
0x97: {  	_ =	strace $0x8FFFFFFF  }
0x98: {  	s19 =	sld [smem:$0x3FDB];
	_ =	sdelay $0x1  }
0x99: {  	s4 =	simm.s32 $_scs_section_size  }
0x9a: {  	s5 =	simm.s32 $_size__tile_overlayer_lowered;
	s6 =	simm.s32 $_tile_overlayer_lowered  }
0x9b: {  	s22 =	simm.s32 $0x1BFF;
	s21 =	sshll.u32 s6, $0x1;
	s3 =	sadd.s32 s4, s19  }
0x9c: {  	s7 =	simm.s32 $0x0;
	s20 =	sshll.u32 s5, $0x1;
	s5 =	sadd.s32 s21, s3  }
0x9d: {  	[timem:s7], [sflag:s22] =	dma.local [hbm:s5], s20  }
0x9e: {  	_ =	swait.ge [sflag:s22], s20  }
0x9f: {  	s4 =	ssub.s32 $0x0, s20;
	[sflag:s22] =	ssyncset.done $0x0  }
0xa0: {  	[sflag:s22] =	ssyncadd.s32 s4;
	_ =	sdelay $0x1  }
0xa1: {  	s23 =	simm.s32 $0x1B8B  }
0xa2: {  	_ =	swait.ge [sflag:s23], $0x1  }
0xa3: {  	[sflag:s23] =	ssyncset.done $0x0  }
0xa4: {  	s25 =	simm.s32 $0x1B8E;
	s24 =	sld [smem:$0x3FFE];
	[sflag:s23] =	ssyncadd.s32 $0xFFFFFFFF  }
0xa5: {  	s26 =	simm.s32 $execute0_lowered;
	[smem:$0x3FD2] =	sst s25  }
0xa6: {  	s5 =	sshll.u32 s26, $0x1;
	_ =	strace $0x80000046;
	[dreg:$0x1] =	wrdreg $0xFFFFFFFF  }
0xa7: {  	s28 =	simm.s32 $_size_execute0_lowered;
	s3 =	sadd.s32 s3, s5;
	[dreg:$0x0] =	wrdreg $0x0  }
0xa8: {  	s5 =	sshll.u32 s28, $0x1;
	[dreg:$0x2] =	wrdreg s3  }
0xa9: {  	[dreg:$0x3] =	wrdreg s5  }
0xaa: {  	[dreg:$0x4] =	wrdreg $0xC0  }
0xab: {  	_ =	task [dreg:s7], $0x5FFFF  }
0xac: {  	[dreg:$0x1] =	wrdreg $0xFFFFFFFF  }
0xad: {  	[dreg:$0x0] =	wrdreg $0x60  }
0xae: {  	[dreg:$0x2] =	wrdreg s24  }
0xaf: {  	[dreg:$0x3] =	wrdreg s2  }
0xb0: {  	[dreg:$0x4] =	wrdreg $0x9  }
0xb1: {  	_ =	task.clear_ibuf [dreg:s7], $0x5FFFF;
	_ =	strace $0x90000046  }
0xb2: {  	s29 =	simm.s32 $0x9;
	_ =	strace $0x80000048  }
0xb3: {  	_ =	swait.ge [sflag:s29], $0x1  }
0xb4: {  	[sflag:s29] =	ssyncadd.s32 $0xFFFFFFFF  }
0xb5: {  	_ =	strace $0x90000048  }
0xb6: {  	_ =	sfence  }
0xb7: {  	s30 =	sld [smem:$0x0];
	_ =	sdelay $0x2  }
0xb8: {  	s31 =	sshll.u32 s1, $0xD;
	s1 =	sshrl.u32 s1, $0x2  }
0xb9: {  	s3 =	sand.u32 $0x4000, s31;
	s1 =	sadd.s32 s1, s30  }
0xba: {  	s0 =	sor.u32 s3, s0;
	s1 =	sshll.u32 s1, $0x11  }
0xbb: {  	s0 =	sor.u32 s1, s0  }
0xbc: {  	s0 =	sadd.s32 $0x8F2B, s0  }
0xbd: {  	[sflag:s0] =	ssyncadd.remote.s32 $0x1  }
0xbe: {  	_ =	sfence.sel $0xFFFF  }
0xbf: {  	[dreg:$0x0] =	wrdreg $0xFFFFFFFF;
	(pc) =	sbr.abs _section_cstart, $3  }
0xc0: {  	[dreg:$0x1] =	wrdreg $0xFFFFFFFF  }
0xc1: {  	_ =	task.clear_ibuf [dreg:s7], $0x2FFFF;
	_ =	strace $0x9FFFFFFF  }
0xc2: {  	(tm) =	ssettm $0x7FFFFFFF  }
0xc3: {  	_ =	shalt  }
tec
execute0_lowered:
.L_overlay_start_1:
0x0: {  	(tag) =	ssettag $0x1  }
0x1: {  	s0 =	srdreg.scid  }
0x2: {  	s8 =	sand.u32 $0x1, s0;
	s0 =	stileid.u32  }
0x3: {  	s3 =	sshll.u32 s0, $0x1;
	s4 =	ssub.s32 $0x0, s8  }
0x4: {  	p0 =	sne.s32 s3, s4  }
.Ltmp0:
0x5: {  	_ = 	snop;
	(pc) =	sbr.rel @p0 .LBB2_4-.Ltmp0, $4  }
0x6: {  	_ = 	snop  }
0x7: {  	s6 =	rddreg [dreg:$0x0]  }
0x8: {  	s2 =	rddreg [dreg:$0x1]  }
0x9: {  	s1 =	rddreg [dreg:$0x2];
	_ =	strace $0x80000047  }
0xa: {  	s4 =	sadd.s32 $0x4200, s6;
	s5 =	simm.s32 $0x0;
	s3 =	simm.s32 $0x1  }
0xb: {  	[tilespmem:s5], [sflag:$0x1] =	stream.linear.gather [hbm4b:s4+s5], $0x400, $0x38;
	[tilespmem:$0x880] =	vst v63  }
0xc: {  	_ =	swait.ge [sflag:s3], $0x400  }
0xd: {  	[sflag:s3] =	ssyncset.done $0x0  }
0xe: {  	s6 =	sadd.s32 $0x4400, s6;
	s7 =	simm.s32 $0x400;
	[sflag:s3] =	ssyncadd.s32 $0xFFFFFC00  }
0xf: {  	[tilespmem:s7], [sflag:$0x1] =	stream.linear.gather [hbm4b:s6+s5], $0x400, $0x38;
	[tilespmem:$0x880] =	vst v63  }
0x10: {  	_ =	swait.ge [sflag:s3], $0x400  }
0x11: {  	[sflag:s3] =	ssyncset.done $0x0  }
0x12: {  	[sflag:s3] =	ssyncadd.s32 $0xFFFFFC00  }
0x13: {  	v0 =	vld [tilespmem:$0x0]  }
0x14: {  	v1 =	vld [tilespmem:$0x400]  }
0x15: {  	v2 =	vld [tilespmem:$0x410]  }
0x16: {  	v3 =	vld [tilespmem:$0x10]  }
0x17: {  	v4 =	vld [tilespmem:$0x20]  }
0x18: {  	v5 =	vld [tilespmem:$0x420]  }
0x19: {  	v6 =	vld [tilespmem:$0x30];
	v0 =	vsub.f32 v0, v1  }
0x1a: {  	v52 =	vld [tilespmem:$0x430]  }
0x1b: {  	v53 =	vld [tilespmem:$0x40];
	v2 =	vsub.f32 v3, v2;
	v0 =	vadd.f32 $0.0e+00, v0  }
0x1c: {  	v7 =	vld [tilespmem:$0x440]  }
0x1d: {  	v54 =	vld [tilespmem:$0x50];
	v4 =	vsub.f32 v4, v5;
	v0 =	vadd.f32 v2, v0  }
0x1e: {  	v55 =	vld [tilespmem:$0x450]  }
0x1f: {  	v56 =	vld [tilespmem:$0x60];
	v1 =	vsub.f32 v6, v52;
	v0 =	vadd.f32 v4, v0  }
0x20: {  	v57 =	vld [tilespmem:$0x460]  }
0x21: {  	v58 =	vld [tilespmem:$0x70];
	v3 =	vsub.f32 v53, v7;
	v0 =	vadd.f32 v1, v0  }
0x22: {  	v59 =	vld [tilespmem:$0x470]  }
0x23: {  	v60 =	vld [tilespmem:$0x80];
	v2 =	vsub.f32 v54, v55;
	v0 =	vadd.f32 v3, v0  }
0x24: {  	v61 =	vld [tilespmem:$0x480]  }
0x25: {  	v62 =	vld [tilespmem:$0x90];
	v4 =	vsub.f32 v56, v57;
	v0 =	vadd.f32 v2, v0  }
0x26: {  	v63 =	vld [tilespmem:$0x490]  }
0x27: {  	v9 =	vld [tilespmem:$0xA0];
	v1 =	vsub.f32 v58, v59;
	v0 =	vadd.f32 v4, v0  }
0x28: {  	v10 =	vld [tilespmem:$0x4A0]  }
0x29: {  	v11 =	vld [tilespmem:$0xB0];
	v3 =	vsub.f32 v60, v61;
	v0 =	vadd.f32 v1, v0  }
0x2a: {  	v12 =	vld [tilespmem:$0x4B0]  }
0x2b: {  	v13 =	vld [tilespmem:$0xC0];
	v2 =	vsub.f32 v62, v63;
	v0 =	vadd.f32 v3, v0  }
0x2c: {  	v14 =	vld [tilespmem:$0x4C0]  }
0x2d: {  	v15 =	vld [tilespmem:$0xD0];
	v4 =	vsub.f32 v9, v10;
	v0 =	vadd.f32 v2, v0  }
0x2e: {  	v16 =	vld [tilespmem:$0x4D0]  }
0x2f: {  	v17 =	vld [tilespmem:$0xE0];
	v1 =	vsub.f32 v11, v12;
	v0 =	vadd.f32 v4, v0  }
0x30: {  	v18 =	vld [tilespmem:$0x4E0]  }
0x31: {  	v19 =	vld [tilespmem:$0xF0];
	v3 =	vsub.f32 v13, v14;
	v0 =	vadd.f32 v1, v0  }
0x32: {  	v20 =	vld [tilespmem:$0x4F0]  }
0x33: {  	v21 =	vld [tilespmem:$0x100];
	v2 =	vsub.f32 v15, v16;
	v0 =	vadd.f32 v3, v0  }
0x34: {  	v22 =	vld [tilespmem:$0x500]  }
0x35: {  	v23 =	vld [tilespmem:$0x110];
	v4 =	vsub.f32 v17, v18;
	v0 =	vadd.f32 v2, v0  }
0x36: {  	v24 =	vld [tilespmem:$0x510]  }
0x37: {  	v25 =	vld [tilespmem:$0x120];
	v1 =	vsub.f32 v19, v20;
	v0 =	vadd.f32 v4, v0  }
0x38: {  	v26 =	vld [tilespmem:$0x520]  }
0x39: {  	v27 =	vld [tilespmem:$0x130];
	v3 =	vsub.f32 v21, v22;
	v0 =	vadd.f32 v1, v0  }
0x3a: {  	v28 =	vld [tilespmem:$0x530]  }
0x3b: {  	v29 =	vld [tilespmem:$0x140];
	v2 =	vsub.f32 v23, v24;
	v0 =	vadd.f32 v3, v0  }
0x3c: {  	v30 =	vld [tilespmem:$0x540]  }
0x3d: {  	v31 =	vld [tilespmem:$0x150];
	v4 =	vsub.f32 v25, v26;
	v0 =	vadd.f32 v2, v0  }
0x3e: {  	v32 =	vld [tilespmem:$0x550]  }
0x3f: {  	v33 =	vld [tilespmem:$0x160];
	v1 =	vsub.f32 v27, v28;
	v0 =	vadd.f32 v4, v0  }
0x40: {  	v34 =	vld [tilespmem:$0x560]  }
0x41: {  	v35 =	vld [tilespmem:$0x170];
	v3 =	vsub.f32 v29, v30;
	v0 =	vadd.f32 v1, v0  }
0x42: {  	v36 =	vld [tilespmem:$0x570]  }
0x43: {  	v37 =	vld [tilespmem:$0x180];
	v2 =	vsub.f32 v31, v32;
	v0 =	vadd.f32 v3, v0  }
0x44: {  	v38 =	vld [tilespmem:$0x580]  }
0x45: {  	v39 =	vld [tilespmem:$0x190];
	v4 =	vsub.f32 v33, v34;
	v0 =	vadd.f32 v2, v0  }
0x46: {  	v40 =	vld [tilespmem:$0x590]  }
0x47: {  	v41 =	vld [tilespmem:$0x1A0];
	v1 =	vsub.f32 v35, v36;
	v0 =	vadd.f32 v4, v0  }
0x48: {  	v42 =	vld [tilespmem:$0x5A0]  }
0x49: {  	v43 =	vld [tilespmem:$0x1B0];
	v3 =	vsub.f32 v37, v38;
	v0 =	vadd.f32 v1, v0  }
0x4a: {  	v44 =	vld [tilespmem:$0x5B0]  }
0x4b: {  	v45 =	vld [tilespmem:$0x1C0];
	v2 =	vsub.f32 v39, v40;
	v0 =	vadd.f32 v3, v0  }
0x4c: {  	v46 =	vld [tilespmem:$0x5C0]  }
0x4d: {  	v47 =	vld [tilespmem:$0x1D0];
	v4 =	vsub.f32 v41, v42;
	v0 =	vadd.f32 v2, v0  }
0x4e: {  	v48 =	vld [tilespmem:$0x5D0]  }
0x4f: {  	v49 =	vld [tilespmem:$0x1E0];
	v1 =	vsub.f32 v43, v44;
	v0 =	vadd.f32 v4, v0  }
0x50: {  	v50 =	vld [tilespmem:$0x5E0]  }
0x51: {  	v51 =	vld [tilespmem:$0x1F0];
	v3 =	vsub.f32 v45, v46;
	v0 =	vadd.f32 v1, v0  }
0x52: {  	v52 =	vld [tilespmem:$0x5F0]  }
0x53: {  	v53 =	vld [tilespmem:$0x200];
	v2 =	vsub.f32 v47, v48;
	v0 =	vadd.f32 v3, v0  }
0x54: {  	v54 =	vld [tilespmem:$0x600]  }
0x55: {  	v55 =	vld [tilespmem:$0x210];
	v4 =	vsub.f32 v49, v50;
	v0 =	vadd.f32 v2, v0  }
0x56: {  	v56 =	vld [tilespmem:$0x610]  }
0x57: {  	v57 =	vld [tilespmem:$0x220];
	v1 =	vsub.f32 v51, v52;
	v0 =	vadd.f32 v4, v0  }
0x58: {  	v58 =	vld [tilespmem:$0x620]  }
0x59: {  	v59 =	vld [tilespmem:$0x230];
	v3 =	vsub.f32 v53, v54;
	v0 =	vadd.f32 v1, v0  }
0x5a: {  	v60 =	vld [tilespmem:$0x630]  }
0x5b: {  	v61 =	vld [tilespmem:$0x240];
	v2 =	vsub.f32 v55, v56;
	v0 =	vadd.f32 v3, v0  }
0x5c: {  	v62 =	vld [tilespmem:$0x640]  }
0x5d: {  	v63 =	vld [tilespmem:$0x250];
	v4 =	vsub.f32 v57, v58;
	v0 =	vadd.f32 v2, v0  }
0x5e: {  	v9 =	vld [tilespmem:$0x650]  }
0x5f: {  	v10 =	vld [tilespmem:$0x260];
	v1 =	vsub.f32 v59, v60;
	v0 =	vadd.f32 v4, v0  }
0x60: {  	v11 =	vld [tilespmem:$0x660]  }
0x61: {  	v12 =	vld [tilespmem:$0x270];
	v3 =	vsub.f32 v61, v62;
	v0 =	vadd.f32 v1, v0  }
0x62: {  	v13 =	vld [tilespmem:$0x670]  }
0x63: {  	v14 =	vld [tilespmem:$0x280];
	v2 =	vsub.f32 v63, v9;
	v0 =	vadd.f32 v3, v0  }
0x64: {  	v15 =	vld [tilespmem:$0x680]  }
0x65: {  	v16 =	vld [tilespmem:$0x290];
	v4 =	vsub.f32 v10, v11;
	v0 =	vadd.f32 v2, v0  }
0x66: {  	v17 =	vld [tilespmem:$0x690]  }
0x67: {  	v18 =	vld [tilespmem:$0x2A0];
	v1 =	vsub.f32 v12, v13;
	v0 =	vadd.f32 v4, v0  }
0x68: {  	v19 =	vld [tilespmem:$0x6A0]  }
0x69: {  	v20 =	vld [tilespmem:$0x2B0];
	v3 =	vsub.f32 v14, v15;
	v0 =	vadd.f32 v1, v0  }
0x6a: {  	v21 =	vld [tilespmem:$0x6B0]  }
0x6b: {  	v22 =	vld [tilespmem:$0x2C0];
	v2 =	vsub.f32 v16, v17;
	v0 =	vadd.f32 v3, v0  }
0x6c: {  	v23 =	vld [tilespmem:$0x6C0]  }
0x6d: {  	v24 =	vld [tilespmem:$0x2D0];
	v4 =	vsub.f32 v18, v19;
	v0 =	vadd.f32 v2, v0  }
0x6e: {  	v25 =	vld [tilespmem:$0x6D0]  }
0x6f: {  	v26 =	vld [tilespmem:$0x2E0];
	v1 =	vsub.f32 v20, v21;
	v0 =	vadd.f32 v4, v0  }
0x70: {  	v27 =	vld [tilespmem:$0x6E0]  }
0x71: {  	v28 =	vld [tilespmem:$0x2F0];
	v3 =	vsub.f32 v22, v23;
	v0 =	vadd.f32 v1, v0  }
0x72: {  	v29 =	vld [tilespmem:$0x6F0]  }
0x73: {  	v30 =	vld [tilespmem:$0x300];
	v2 =	vsub.f32 v24, v25;
	v0 =	vadd.f32 v3, v0  }
0x74: {  	v31 =	vld [tilespmem:$0x700]  }
0x75: {  	v32 =	vld [tilespmem:$0x310];
	v4 =	vsub.f32 v26, v27;
	v0 =	vadd.f32 v2, v0  }
0x76: {  	v33 =	vld [tilespmem:$0x710]  }
0x77: {  	v34 =	vld [tilespmem:$0x320];
	v1 =	vsub.f32 v28, v29;
	v0 =	vadd.f32 v4, v0  }
0x78: {  	v35 =	vld [tilespmem:$0x720]  }
0x79: {  	v36 =	vld [tilespmem:$0x330];
	v3 =	vsub.f32 v30, v31;
	v0 =	vadd.f32 v1, v0  }
0x7a: {  	v37 =	vld [tilespmem:$0x730]  }
0x7b: {  	v38 =	vld [tilespmem:$0x340];
	v2 =	vsub.f32 v32, v33;
	v0 =	vadd.f32 v3, v0  }
0x7c: {  	v39 =	vld [tilespmem:$0x740]  }
0x7d: {  	v40 =	vld [tilespmem:$0x350];
	v4 =	vsub.f32 v34, v35;
	v0 =	vadd.f32 v2, v0  }
0x7e: {  	v41 =	vld [tilespmem:$0x750]  }
0x7f: {  	v42 =	vld [tilespmem:$0x360];
	v1 =	vsub.f32 v36, v37;
	v0 =	vadd.f32 v4, v0  }
0x80: {  	v43 =	vld [tilespmem:$0x760]  }
0x81: {  	v44 =	vld [tilespmem:$0x370];
	v3 =	vsub.f32 v38, v39;
	v0 =	vadd.f32 v1, v0  }
0x82: {  	v45 =	vld [tilespmem:$0x770]  }
0x83: {  	v46 =	vld [tilespmem:$0x380];
	v2 =	vsub.f32 v40, v41;
	v0 =	vadd.f32 v3, v0  }
0x84: {  	v47 =	vld [tilespmem:$0x780]  }
0x85: {  	v48 =	vld [tilespmem:$0x390];
	v4 =	vsub.f32 v42, v43;
	v0 =	vadd.f32 v2, v0  }
0x86: {  	v49 =	vld [tilespmem:$0x790]  }
0x87: {  	v50 =	vld [tilespmem:$0x3A0];
	v1 =	vsub.f32 v44, v45;
	v0 =	vadd.f32 v4, v0  }
0x88: {  	v51 =	vld [tilespmem:$0x7A0]  }
0x89: {  	v52 =	vld [tilespmem:$0x3B0];
	v3 =	vsub.f32 v46, v47;
	v0 =	vadd.f32 v1, v0  }
0x8a: {  	v53 =	vld [tilespmem:$0x7B0]  }
0x8b: {  	v54 =	vld [tilespmem:$0x3C0];
	v2 =	vsub.f32 v48, v49;
	v0 =	vadd.f32 v3, v0  }
0x8c: {  	v55 =	vld [tilespmem:$0x7C0]  }
0x8d: {  	v56 =	vld [tilespmem:$0x3D0];
	v4 =	vsub.f32 v50, v51;
	v0 =	vadd.f32 v2, v0  }
0x8e: {  	v57 =	vld [tilespmem:$0x7D0]  }
0x8f: {  	v58 =	vld [tilespmem:$0x3E0];
	v1 =	vsub.f32 v52, v53;
	v0 =	vadd.f32 v4, v0  }
0x90: {  	v59 =	vld [tilespmem:$0x7E0]  }
0x91: {  	v60 =	vld [tilespmem:$0x3F0];
	v3 =	vsub.f32 v54, v55;
	v0 =	vadd.f32 v1, v0  }
0x92: {  	v61 =	vld [tilespmem:$0x7F0]  }
0x93: {  	v2 =	vsub.f32 v56, v57;
	v0 =	vadd.f32 v3, v0;
	_ =	sdelay $0x1  }
0x94: {  	v62 =	vsub.f32 v58, v59;
	v0 =	vadd.f32 v2, v0;
	_ =	sdelay $0x1  }
0x95: {  	v1 =	vsub.f32 v60, v61;
	v0 =	vadd.f32 v62, v0;
	_ =	sdelay $0x1  }
0x96: {  	v0 =	vadd.f32 v1, v0;
	_ =	sdelay $0x1  }
0x97: {  	(xrf2) =	vadd.scan.msk.f32 $0xffff, v0;
	_ =	sdelay $0x9  }
0x98: {  	v0, _, _ =	vpop (xrf2)  }
0x99: {  	(v2sf) =	vpush v0, $0xF;
	_ =	sdelay $0xb  }
0x9a: {  	s8 =	ssub.s32 $0x2, s8  }
0x9b: {  	s10 =	sshrl.u32 s8, $0x1  }
0x9c: {  	s8 =	ssub.s32 s8, s10  }
0x9d: {  	s31 =	smax.u32 s8, $0x1;
	s9 =	spop (v2sf)  }
0x9e: {  	p0 =	sne.s32 s31, $0x1;
	s9 =	smul.f32 $9.765625000e-04, s9  }
.Ltmp1:
0x9f: {  	_ = 	snop;
	(pc) =	sbr.rel @!p0 .LBB2_3-.Ltmp1, $4  }
0xa0: {  	_ = 	snop  }
0xa1: {  	v63 =	vmov s9  }
0xa2: {  	s8 =	simm.s32 $0x800;
	s9 =	sadd.s32 $0xFFFFFFFF, s31;
	[tilespmem:$0x800] =	vst v63  }
0xa3: {  	[hbm4b:s2+s5] =	stream.linear.scatter [tilespmem:s8], [sflag:$0x1], $0x80, $0x38;
	[tilespmem:$0x880] =	vst v63  }
.LBB2_2:
0xa4: {  	p0 =	sne.s32 s9, $0x1;
	s9 =	sadd.s32 $0xFFFFFFFF, s9;
	_ =	swait.ge [sflag:s3], $0x80  }
0xa5: {  	[sflag:s3] =	ssyncset.done $0x0  }
0xa6: {  	[sflag:s3] =	ssyncadd.s32 $0xFFFFFF80  }
0xa7: {  	[tilespmem:s5], [sflag:$0x1] =	stream.linear.gather [hbm4b:s4+s5], $0x400, $0x38;
	[tilespmem:$0x880] =	vst v63  }
0xa8: {  	_ =	swait.ge [sflag:s3], $0x400  }
0xa9: {  	[sflag:s3] =	ssyncset.done $0x0  }
0xaa: {  	[sflag:s3] =	ssyncadd.s32 $0xFFFFFC00  }
0xab: {  	[tilespmem:s7], [sflag:$0x1] =	stream.linear.gather [hbm4b:s6+s5], $0x400, $0x38;
	[tilespmem:$0x880] =	vst v63  }
0xac: {  	_ =	swait.ge [sflag:s3], $0x400  }
0xad: {  	[sflag:s3] =	ssyncset.done $0x0  }
0xae: {  	[sflag:s3] =	ssyncadd.s32 $0xFFFFFC00  }
0xaf: {  	v0 =	vld [tilespmem:$0x410]  }
0xb0: {  	v1 =	vld [tilespmem:$0x0]  }
0xb1: {  	v2 =	vld [tilespmem:$0x400]  }
0xb2: {  	v3 =	vld [tilespmem:$0x10]  }
0xb3: {  	v4 =	vld [tilespmem:$0x20]  }
0xb4: {  	v5 =	vld [tilespmem:$0x420]  }
0xb5: {  	v6 =	vld [tilespmem:$0x30]  }
0xb6: {  	v1 =	vsub.f32 v1, v2;
	v2 =	vld [tilespmem:$0x430]  }
0xb7: {  	v0 =	vsub.f32 v3, v0;
	v3 =	vld [tilespmem:$0x40]  }
0xb8: {  	v1 =	vadd.f32 $0.0e+00, v1;
	v7 =	vld [tilespmem:$0x440]  }
0xb9: {  	v4 =	vsub.f32 v4, v5;
	v5 =	vld [tilespmem:$0x50]  }
0xba: {  	v0 =	vadd.f32 v0, v1;
	v1 =	vld [tilespmem:$0x450]  }
0xbb: {  	v2 =	vsub.f32 v6, v2;
	v6 =	vld [tilespmem:$0x60]  }
0xbc: {  	v0 =	vadd.f32 v4, v0;
	v4 =	vld [tilespmem:$0x460]  }
0xbd: {  	v3 =	vsub.f32 v3, v7;
	v7 =	vld [tilespmem:$0x70]  }
0xbe: {  	v0 =	vadd.f32 v2, v0;
	v2 =	vld [tilespmem:$0x470]  }
0xbf: {  	v1 =	vsub.f32 v5, v1;
	v5 =	vld [tilespmem:$0x80]  }
0xc0: {  	v0 =	vadd.f32 v3, v0;
	v3 =	vld [tilespmem:$0x480]  }
0xc1: {  	v4 =	vsub.f32 v6, v4;
	v6 =	vld [tilespmem:$0x90]  }
0xc2: {  	v0 =	vadd.f32 v1, v0;
	v1 =	vld [tilespmem:$0x490]  }
0xc3: {  	v2 =	vsub.f32 v7, v2;
	v7 =	vld [tilespmem:$0xA0]  }
0xc4: {  	v0 =	vadd.f32 v4, v0;
	v4 =	vld [tilespmem:$0x4A0]  }
0xc5: {  	v3 =	vsub.f32 v5, v3;
	v5 =	vld [tilespmem:$0xB0]  }
0xc6: {  	v0 =	vadd.f32 v2, v0;
	v2 =	vld [tilespmem:$0x4B0]  }
0xc7: {  	v1 =	vsub.f32 v6, v1;
	v6 =	vld [tilespmem:$0xC0]  }
0xc8: {  	v0 =	vadd.f32 v3, v0;
	v3 =	vld [tilespmem:$0x4C0]  }
0xc9: {  	v4 =	vsub.f32 v7, v4;
	v7 =	vld [tilespmem:$0xD0]  }
0xca: {  	v0 =	vadd.f32 v1, v0;
	v1 =	vld [tilespmem:$0x4D0]  }
0xcb: {  	v2 =	vsub.f32 v5, v2;
	v5 =	vld [tilespmem:$0xE0]  }
0xcc: {  	v0 =	vadd.f32 v4, v0;
	v4 =	vld [tilespmem:$0x4E0]  }
0xcd: {  	v3 =	vsub.f32 v6, v3;
	v6 =	vld [tilespmem:$0xF0]  }
0xce: {  	v0 =	vadd.f32 v2, v0;
	v2 =	vld [tilespmem:$0x4F0]  }
0xcf: {  	v1 =	vsub.f32 v7, v1;
	v7 =	vld [tilespmem:$0x100]  }
0xd0: {  	v0 =	vadd.f32 v3, v0;
	v3 =	vld [tilespmem:$0x500]  }
0xd1: {  	v4 =	vsub.f32 v5, v4;
	v5 =	vld [tilespmem:$0x110]  }
0xd2: {  	v0 =	vadd.f32 v1, v0;
	v1 =	vld [tilespmem:$0x510]  }
0xd3: {  	v2 =	vsub.f32 v6, v2;
	v6 =	vld [tilespmem:$0x120]  }
0xd4: {  	v0 =	vadd.f32 v4, v0;
	v4 =	vld [tilespmem:$0x520]  }
0xd5: {  	v3 =	vsub.f32 v7, v3;
	v7 =	vld [tilespmem:$0x130]  }
0xd6: {  	v0 =	vadd.f32 v2, v0;
	v2 =	vld [tilespmem:$0x530]  }
0xd7: {  	v1 =	vsub.f32 v5, v1;
	v5 =	vld [tilespmem:$0x140]  }
0xd8: {  	v0 =	vadd.f32 v3, v0;
	v3 =	vld [tilespmem:$0x540]  }
0xd9: {  	v4 =	vsub.f32 v6, v4;
	v6 =	vld [tilespmem:$0x150]  }
0xda: {  	v0 =	vadd.f32 v1, v0;
	v1 =	vld [tilespmem:$0x550]  }
0xdb: {  	v2 =	vsub.f32 v7, v2;
	v7 =	vld [tilespmem:$0x160]  }
0xdc: {  	v0 =	vadd.f32 v4, v0;
	v4 =	vld [tilespmem:$0x560]  }
0xdd: {  	v3 =	vsub.f32 v5, v3;
	v5 =	vld [tilespmem:$0x170]  }
0xde: {  	v0 =	vadd.f32 v2, v0;
	v2 =	vld [tilespmem:$0x570]  }
0xdf: {  	v1 =	vsub.f32 v6, v1;
	v6 =	vld [tilespmem:$0x180]  }
0xe0: {  	v0 =	vadd.f32 v3, v0;
	v3 =	vld [tilespmem:$0x580]  }
0xe1: {  	v4 =	vsub.f32 v7, v4;
	v7 =	vld [tilespmem:$0x190]  }
0xe2: {  	v0 =	vadd.f32 v1, v0;
	v1 =	vld [tilespmem:$0x590]  }
0xe3: {  	v2 =	vsub.f32 v5, v2;
	v5 =	vld [tilespmem:$0x1A0]  }
0xe4: {  	v0 =	vadd.f32 v4, v0;
	v4 =	vld [tilespmem:$0x5A0]  }
0xe5: {  	v3 =	vsub.f32 v6, v3;
	v6 =	vld [tilespmem:$0x1B0]  }
0xe6: {  	v0 =	vadd.f32 v2, v0;
	v2 =	vld [tilespmem:$0x5B0]  }
0xe7: {  	v1 =	vsub.f32 v7, v1;
	v7 =	vld [tilespmem:$0x1C0]  }
0xe8: {  	v0 =	vadd.f32 v3, v0;
	v3 =	vld [tilespmem:$0x5C0]  }
0xe9: {  	v4 =	vsub.f32 v5, v4;
	v5 =	vld [tilespmem:$0x1D0]  }
0xea: {  	v0 =	vadd.f32 v1, v0;
	v1 =	vld [tilespmem:$0x5D0]  }
0xeb: {  	v2 =	vsub.f32 v6, v2;
	v6 =	vld [tilespmem:$0x1E0]  }
0xec: {  	v0 =	vadd.f32 v4, v0;
	v4 =	vld [tilespmem:$0x5E0]  }
0xed: {  	v3 =	vsub.f32 v7, v3;
	v7 =	vld [tilespmem:$0x1F0]  }
0xee: {  	v0 =	vadd.f32 v2, v0;
	v2 =	vld [tilespmem:$0x5F0]  }
0xef: {  	v1 =	vsub.f32 v5, v1;
	v5 =	vld [tilespmem:$0x200]  }
0xf0: {  	v0 =	vadd.f32 v3, v0;
	v3 =	vld [tilespmem:$0x600]  }
0xf1: {  	v4 =	vsub.f32 v6, v4;
	v6 =	vld [tilespmem:$0x210]  }
0xf2: {  	v0 =	vadd.f32 v1, v0;
	v1 =	vld [tilespmem:$0x610]  }
0xf3: {  	v2 =	vsub.f32 v7, v2;
	v7 =	vld [tilespmem:$0x220]  }
0xf4: {  	v0 =	vadd.f32 v4, v0;
	v4 =	vld [tilespmem:$0x620]  }
0xf5: {  	v3 =	vsub.f32 v5, v3;
	v5 =	vld [tilespmem:$0x230]  }
0xf6: {  	v0 =	vadd.f32 v2, v0;
	v2 =	vld [tilespmem:$0x630]  }
0xf7: {  	v1 =	vsub.f32 v6, v1;
	v6 =	vld [tilespmem:$0x240]  }
0xf8: {  	v0 =	vadd.f32 v3, v0;
	v3 =	vld [tilespmem:$0x640]  }
0xf9: {  	v4 =	vsub.f32 v7, v4;
	v7 =	vld [tilespmem:$0x250]  }
0xfa: {  	v0 =	vadd.f32 v1, v0;
	v1 =	vld [tilespmem:$0x650]  }
0xfb: {  	v2 =	vsub.f32 v5, v2;
	v5 =	vld [tilespmem:$0x260]  }
0xfc: {  	v0 =	vadd.f32 v4, v0;
	v4 =	vld [tilespmem:$0x660]  }
0xfd: {  	v3 =	vsub.f32 v6, v3;
	v6 =	vld [tilespmem:$0x270]  }
0xfe: {  	v0 =	vadd.f32 v2, v0;
	v2 =	vld [tilespmem:$0x670]  }
0xff: {  	v1 =	vsub.f32 v7, v1;
	v7 =	vld [tilespmem:$0x280]  }
0x100: {  	v0 =	vadd.f32 v3, v0;
	v3 =	vld [tilespmem:$0x680]  }
0x101: {  	v4 =	vsub.f32 v5, v4;
	v5 =	vld [tilespmem:$0x290]  }
0x102: {  	v0 =	vadd.f32 v1, v0;
	v1 =	vld [tilespmem:$0x690]  }
0x103: {  	v2 =	vsub.f32 v6, v2;
	v6 =	vld [tilespmem:$0x2A0]  }
0x104: {  	v0 =	vadd.f32 v4, v0;
	v4 =	vld [tilespmem:$0x6A0]  }
0x105: {  	v3 =	vsub.f32 v7, v3;
	v7 =	vld [tilespmem:$0x2B0]  }
0x106: {  	v0 =	vadd.f32 v2, v0;
	v2 =	vld [tilespmem:$0x6B0]  }
0x107: {  	v1 =	vsub.f32 v5, v1;
	v5 =	vld [tilespmem:$0x2C0]  }
0x108: {  	v0 =	vadd.f32 v3, v0;
	v3 =	vld [tilespmem:$0x6C0]  }
0x109: {  	v4 =	vsub.f32 v6, v4;
	v6 =	vld [tilespmem:$0x2D0]  }
0x10a: {  	v0 =	vadd.f32 v1, v0;
	v1 =	vld [tilespmem:$0x6D0]  }
0x10b: {  	v2 =	vsub.f32 v7, v2;
	v7 =	vld [tilespmem:$0x2E0]  }
0x10c: {  	v0 =	vadd.f32 v4, v0;
	v4 =	vld [tilespmem:$0x6E0]  }
0x10d: {  	v3 =	vsub.f32 v5, v3;
	v5 =	vld [tilespmem:$0x2F0]  }
0x10e: {  	v0 =	vadd.f32 v2, v0;
	v2 =	vld [tilespmem:$0x6F0]  }
0x10f: {  	v1 =	vsub.f32 v6, v1;
	v6 =	vld [tilespmem:$0x300]  }
0x110: {  	v0 =	vadd.f32 v3, v0;
	v3 =	vld [tilespmem:$0x700]  }
0x111: {  	v4 =	vsub.f32 v7, v4;
	v7 =	vld [tilespmem:$0x310]  }
0x112: {  	v0 =	vadd.f32 v1, v0;
	v1 =	vld [tilespmem:$0x710]  }
0x113: {  	v2 =	vsub.f32 v5, v2;
	v5 =	vld [tilespmem:$0x320]  }
0x114: {  	v0 =	vadd.f32 v4, v0;
	v4 =	vld [tilespmem:$0x720]  }
0x115: {  	v3 =	vsub.f32 v6, v3;
	v6 =	vld [tilespmem:$0x330]  }
0x116: {  	v0 =	vadd.f32 v2, v0;
	v2 =	vld [tilespmem:$0x730]  }
0x117: {  	v1 =	vsub.f32 v7, v1;
	v7 =	vld [tilespmem:$0x340]  }
0x118: {  	v0 =	vadd.f32 v3, v0;
	v3 =	vld [tilespmem:$0x740]  }
0x119: {  	v4 =	vsub.f32 v5, v4;
	v5 =	vld [tilespmem:$0x350]  }
0x11a: {  	v0 =	vadd.f32 v1, v0;
	v1 =	vld [tilespmem:$0x750]  }
0x11b: {  	v2 =	vsub.f32 v6, v2;
	v6 =	vld [tilespmem:$0x360]  }
0x11c: {  	v0 =	vadd.f32 v4, v0;
	v4 =	vld [tilespmem:$0x760]  }
0x11d: {  	v3 =	vsub.f32 v7, v3;
	v7 =	vld [tilespmem:$0x370]  }
0x11e: {  	v0 =	vadd.f32 v2, v0;
	v2 =	vld [tilespmem:$0x770]  }
0x11f: {  	v1 =	vsub.f32 v5, v1;
	v5 =	vld [tilespmem:$0x380]  }
0x120: {  	v0 =	vadd.f32 v3, v0;
	v3 =	vld [tilespmem:$0x780]  }
0x121: {  	v4 =	vsub.f32 v6, v4;
	v6 =	vld [tilespmem:$0x390]  }
0x122: {  	v0 =	vadd.f32 v1, v0;
	v1 =	vld [tilespmem:$0x790]  }
0x123: {  	v2 =	vsub.f32 v7, v2;
	v7 =	vld [tilespmem:$0x3A0]  }
0x124: {  	v0 =	vadd.f32 v4, v0;
	v4 =	vld [tilespmem:$0x7A0]  }
0x125: {  	v3 =	vsub.f32 v5, v3;
	v5 =	vld [tilespmem:$0x3B0]  }
0x126: {  	v0 =	vadd.f32 v2, v0;
	v2 =	vld [tilespmem:$0x7B0]  }
0x127: {  	v1 =	vsub.f32 v6, v1;
	v6 =	vld [tilespmem:$0x3C0]  }
0x128: {  	v0 =	vadd.f32 v3, v0;
	v3 =	vld [tilespmem:$0x7C0]  }
0x129: {  	v4 =	vsub.f32 v7, v4;
	v7 =	vld [tilespmem:$0x3D0]  }
0x12a: {  	v0 =	vadd.f32 v1, v0;
	v1 =	vld [tilespmem:$0x7D0]  }
0x12b: {  	v2 =	vsub.f32 v5, v2;
	v5 =	vld [tilespmem:$0x3E0]  }
0x12c: {  	v0 =	vadd.f32 v4, v0;
	v4 =	vld [tilespmem:$0x7E0]  }
0x12d: {  	v3 =	vsub.f32 v6, v3;
	v6 =	vld [tilespmem:$0x3F0]  }
0x12e: {  	v0 =	vadd.f32 v2, v0;
	v2 =	vld [tilespmem:$0x7F0]  }
0x12f: {  	v1 =	vsub.f32 v7, v1  }
0x130: {  	v0 =	vadd.f32 v3, v0  }
0x131: {  	v3 =	vsub.f32 v5, v4  }
0x132: {  	v0 =	vadd.f32 v1, v0  }
0x133: {  	v1 =	vsub.f32 v6, v2  }
0x134: {  	v0 =	vadd.f32 v3, v0;
	_ =	sdelay $0x1  }
0x135: {  	v0 =	vadd.f32 v1, v0;
	_ =	sdelay $0x1  }
0x136: {  	(xrf2) =	vadd.scan.msk.f32 $0xffff, v0;
	_ =	sdelay $0x9  }
0x137: {  	v0, _, _ =	vpop (xrf2)  }
0x138: {  	(v2sf) =	vpush v0, $0xF;
	_ =	sdelay $0xe  }
0x139: {  	s10 =	spop (v2sf)  }
0x13a: {  	s10 =	smul.f32 $9.765625000e-04, s10  }
.Ltmp2:
0x13b: {  	(pc) =	sbr.rel @p0 .LBB2_2-.Ltmp2, $4  }
0x13c: {  	_ = 	snop  }
0x13d: {  	v0 =	vmov s10  }
0x13e: {  	[tilespmem:$0x800] =	vst v0  }
0x13f: {  	[hbm4b:s2+s5] =	stream.linear.scatter [tilespmem:s8], [sflag:$0x1], $0x80, $0x38;
	[tilespmem:$0x880] =	vst v63  }
.LBB2_3:
0x140: {  	_ =	swait.ge [sflag:s3], $0x80  }
0x141: {  	[sflag:s3] =	ssyncset.done $0x0  }
0x142: {  	[sflag:s3] =	ssyncadd.s32 $0xFFFFFF80  }
.LBB2_4:
0x143: {  	_ =	sfence.sel $0x180000  }
0x144: {  	[bflag:$0x0] =	sbarrier.arrive $0xFFFF  }
0x145: {  	p0 =	sne.s32 s0, $0x0;
	_ =	strace $0x90000047  }
0x146: {  	s0 =	sadd.s32 @!p0 $0x100000, s1;
	[bflag:$0x2] =	sbarrier.arrive $0xFFFF  }
0x147: {  	[sflag:s0] =	ssyncadd.tile.s32 @!p0 $0x1;
	_ =	shalt  }
.Lfunc_end2:
_tile_overlayer_lowered:
.L_overlay_start_2:
0x148: {  	(tag) =	ssettag $0x2  }
0x149: {  	s0 =	rddreg [dreg:$0x0];
	s2 =	stileid.u32  }
0x14a: {  	s1 =	rddreg [dreg:$0x1];
	p0 =	sne.s32 s2, $0x0  }
0x14b: {  	s3 =	rddreg [dreg:$0x2];
	[bflag:$0x3] =	sbarrier.arrive $0xFFFF;
	s2 =	simm.s32 @!p0 $0x1C01  }
0x14c: {  	[timem:s3], [sflag:s2] =	dma.local @!p0 [hbm:s0], s1  }
0x14d: {  	s0 =	simm.s32 @!p0 $0x1  }
0x14e: {  	_ =	swait.ge @!p0 [sflag:s0], s1  }
0x14f: {  	s1 =	ssub.s32 @!p0 $0x0, s1;
	[sflag:s0] =	ssyncset.done @!p0 $0x0  }
0x150: {  	[sflag:s0] =	ssyncadd.s32 @!p0 s1  }
0x151: {  	[bflag:$0x3] =	sbarrier.arrive $0xFFFF  }
0x152: {  	_ =	shalt  }

</sc_bundles>
